<compile_context>
chip_gen: v7x
topology: tpu7x:2x2x1
jax: 0.10.2.dev20260603
libtpu: 0.0.44.dev20260713+nightly
codegen_flags: <defaults>
</compile_context>

<pallas_src>
import functools

import jax
import jax.numpy as jnp
from jax import lax
from jax.experimental import pallas as pl
from jax.experimental.pallas import tpu as pltpu
from jax.experimental.pallas import tpu_sc as plsc

CUT = 5.0
NATOMS = 10000
NEDGES = 320000
DIM = 128
FW = 128
NW = 32
PW = 10240
EPAD = NW * PW
NCH = PW // 128
NAPAD = 10240
NPT = NAPAD // 16

BE = 4096
BN = 2000


BR = 32


def _edge_body(xs_ref, ys_ref, zs_ref, out_ref):
    x, y, z = xs_ref[...], ys_ref[...], zs_ref[...]
    d = jnp.sqrt(x * x + y * y + z * z)
    inv = 1.0 / d
    ux, uy, uz = x * inv, y * inv, z * inv
    t = d / CUT
    t2 = t * t
    t3 = t2 * t
    t6 = t3 * t3
    t7 = t6 * t
    t8 = t7 * t
    env = jnp.where(d < CUT, 1.0 - 28.0 * t6 + 48.0 * t7 - 21.0 * t8, 0.0)
    coef = jnp.sqrt(2.0 / CUT) * inv * env
    zro = jnp.zeros_like(x)
    g12 = [coef * jnp.sin(d * (float(n) * jnp.pi / CUT)) for n in range(1, 9)]
    g12 += [env, zro, zro, zro]
    planes = g12 + [p * ux for p in g12] + [p * uy for p in g12] \
        + [p * uz for p in g12]
    p48 = jnp.stack(planes, axis=1)
    rows = jnp.transpose(p48, (0, 2, 1))
    pad = jnp.zeros((BR, 128, FW - 48), jnp.float32)
    out_ref[...] = jnp.concatenate([rows, pad], axis=2)


def _edge_feats(xs, ys, zs):
    out3 = pl.pallas_call(
        _edge_body,
        grid=(EPAD // (BR * 128),),
        in_specs=[pl.BlockSpec((BR, 128), lambda i: (i, 0))] * 3,
        out_specs=pl.BlockSpec((BR, 128, FW), lambda i: (i, 0, 0)),
        out_shape=jax.ShapeDtypeStruct((EPAD // 128, 128, FW), jnp.float32),
    )(xs, ys, zs)
    return out3.reshape(EPAD, FW)


def _sc_scatter_body(feats_hbm, idx_hbm, zeros_hbm, out_hbm,
                     idx_v, fb0, fb1, sem0, sem1, acc):
    c = lax.axis_index("c")
    s = lax.axis_index("s")
    wid = s * 2 + c
    sbuf = fb0
    def zrow(t, carry):
        pltpu.sync_copy(zeros_hbm.at[pl.ds(s * NPT + t * 128, 128)], sbuf)
        pltpu.sync_copy(sbuf, acc.at[pl.ds(s * NPT + t * 128, 128)])
        return carry

    lax.fori_loop(0, NPT // 128, zrow, 0)
    plsc.subcore_barrier()
    base = wid * PW
    pltpu.sync_copy(idx_hbm.at[wid], idx_v)

    def pair(i, carry):
        j0 = i * 2
        h0 = pltpu.async_copy(feats_hbm.at[pl.ds(base + j0 * 128, 128)],
                              fb0, sem0)
        h1 = pltpu.async_copy(feats_hbm.at[pl.ds(base + (j0 + 1) * 128, 128)],
                              fb1, sem1)
        h0.wait()
        pltpu.sync_copy(fb0, acc.at[idx_v.at[j0]], add=True)
        h1.wait()
        pltpu.sync_copy(fb1, acc.at[idx_v.at[j0 + 1]], add=True)
        return carry

    lax.fori_loop(0, NCH // 2, pair, 0)
    plsc.subcore_barrier()

    def orow(t, carry):
        pltpu.sync_copy(acc.at[pl.ds(s * NPT + t * 128, 128)], sbuf)
        pltpu.sync_copy(sbuf, out_hbm.at[c].at[pl.ds(s * NPT + t * 128, 128)])
        return carry

    lax.fori_loop(0, NPT // 128, orow, 0)


def _sc_scatter(feats, idx3, zeros):
    mesh = plsc.VectorSubcoreMesh(core_axis_name="c", subcore_axis_name="s")
    call = functools.partial(
        pl.kernel,
        mesh=mesh,
        out_type=jax.ShapeDtypeStruct((2, NAPAD, FW), jnp.float32),
        scratch_types=[
            pltpu.VMEM((NCH, 128), jnp.int32),
            pltpu.VMEM((128, FW), jnp.float32),
            pltpu.VMEM((128, FW), jnp.float32),
            pltpu.SemaphoreType.DMA,
            pltpu.SemaphoreType.DMA,
            pltpu.VMEM_SHARED((NAPAD, FW), jnp.float32),
        ],
    )(_sc_scatter_body)
    return call(feats, idx3, zeros)


def _dense_body(m_ref, s_ref, v_ref, w1_ref, b1_ref, w2_ref, b2_ref,
                wf_ref, wb_ref, rsel_ref, ds_ref, dv_ref):
    m = m_ref[0] + m_ref[1]
    h = jnp.dot(s_ref[...], w1_ref[...],
                preferred_element_type=jnp.float32) + b1_ref[...]
    h = h * jax.nn.sigmoid(h)
    phi = jnp.dot(h, w2_ref[...],
                  preferred_element_type=jnp.float32) + b2_ref[...]
    f = jnp.dot(m, wf_ref[...], preferred_element_type=jnp.float32)
    b384 = jnp.dot(m, wb_ref[...], preferred_element_type=jnp.float32)
    ds_ref[...] = phi[:, :DIM] * f[:, :DIM]
    pb = phi[:, DIM:2 * DIM]
    pc = phi[:, 2 * DIM:] * f[:, 2 * DIM:]
    rsel = rsel_ref[...]
    pb_rep = jnp.dot(pb, rsel, preferred_element_type=jnp.float32)
    pc_rep = jnp.dot(pc, rsel, preferred_element_type=jnp.float32)
    dv_ref[...] = pb_rep * b384 + pc_rep * v_ref[...]


def _dense(msc, s_emb, v384, w1, b1, w2, b2, wf48, wb48, rsel):
    return pl.pallas_call(
        _dense_body,
        grid=(NATOMS // BN,),
        in_specs=[
            pl.BlockSpec((2, BN, FW), lambda i: (0, i, 0)),
            pl.BlockSpec((BN, DIM), lambda i: (i, 0)),
            pl.BlockSpec((BN, 3 * DIM), lambda i: (i, 0)),
            pl.BlockSpec((DIM, DIM), lambda i: (0, 0)),
            pl.BlockSpec((1, DIM), lambda i: (0, 0)),
            pl.BlockSpec((DIM, 3 * DIM), lambda i: (0, 0)),
            pl.BlockSpec((1, 3 * DIM), lambda i: (0, 0)),
            pl.BlockSpec((FW, 3 * DIM), lambda i: (0, 0)),
            pl.BlockSpec((FW, 3 * DIM), lambda i: (0, 0)),
            pl.BlockSpec((DIM, 3 * DIM), lambda i: (0, 0)),
        ],
        out_specs=[
            pl.BlockSpec((BN, DIM), lambda i: (i, 0)),
            pl.BlockSpec((BN, 3 * DIM), lambda i: (i, 0)),
        ],
        out_shape=[
            jax.ShapeDtypeStruct((NATOMS, DIM), jnp.float32),
            jax.ShapeDtypeStruct((NATOMS, 3 * DIM), jnp.float32),
        ],
    )(msc, s_emb, v384, w1, b1, w2, b2, wf48, wb48, rsel)


def kernel(vector_embeddings, scalar_embeddings, neighbour_index,
           neighbour_vectors, Wf, bf, W1, b1, W2, b2):
    f32 = jnp.float32
    npad = EPAD - NEDGES
    nv_pad = jnp.concatenate(
        [neighbour_vectors,
         jnp.concatenate([jnp.full((npad, 1), 2.0 * CUT, f32),
                          jnp.zeros((npad, 2), f32)], axis=1)], axis=0)
    idx3 = jnp.concatenate(
        [neighbour_index[1], jnp.zeros((npad,), jnp.int32)]).reshape(NW, NCH, 128)

    xs = nv_pad[:, 0].reshape(EPAD // 128, 128)
    ys = nv_pad[:, 1].reshape(EPAD // 128, 128)
    zs = nv_pad[:, 2].reshape(EPAD // 128, 128)
    feats = _edge_feats(xs, ys, zs)
    msc = _sc_scatter(feats, idx3, jnp.zeros((NAPAD, FW), f32))

    wfe = jnp.concatenate([Wf, bf[None, :]], axis=0)
    wf48 = jnp.concatenate([wfe, jnp.zeros((FW - 9, 3 * DIM), f32)], axis=0)
    wfb = wfe[:, DIM:2 * DIM]
    blocks = [jnp.zeros((12, 3 * DIM), f32)]
    for k in range(3):
        cols = [wfb if kk == k else jnp.zeros_like(wfb) for kk in range(3)]
        blk = jnp.stack(cols, axis=-1).reshape(9, 3 * DIM)
        blocks.append(jnp.concatenate([blk, jnp.zeros((3, 3 * DIM), f32)], 0))
    blocks.append(jnp.zeros((FW - 48, 3 * DIM), f32))
    wb48 = jnp.concatenate(blocks, axis=0)
    rsel = jnp.broadcast_to(jnp.eye(DIM, dtype=f32)[:, :, None],
                            (DIM, DIM, 3)).reshape(DIM, 3 * DIM)

    v384 = vector_embeddings.reshape(NATOMS, 3 * DIM)
    ds, dv384 = _dense(msc, scalar_embeddings, v384,
                       W1, b1[None, :], W2, b2[None, :], wf48, wb48, rsel)
    return (dv384.reshape(NATOMS, DIM, 3), ds)

# --- scband reference (transcript-rebuilt; emitter-appended) ---
"""Pipeline reference for scband-interaction-block-31671088840961 (READ-ONLY COPY).

The authoritative reference and input builder live on the scoring server;
editing this copy changes nothing except your own understanding.
"""

import jax, jax.numpy as jnp
import numpy as np

CUTOFF = 5.0
RADIAL = 8
DIM = 128
N_ATOMS = 10000
N_EDGES = 320000


def bessel(d):
    # sqrt(2/cutoff) * sin(n*pi*d/cutoff) / d, n = 1..RADIAL
    n = jnp.arange(1, RADIAL + 1, dtype=jnp.float32)
    return jnp.sqrt(2.0 / CUTOFF) * jnp.sin(n[None, :] * jnp.pi * d[:, None] / CUTOFF) / d[:, None]


def poly_envelope(d, p=6):
    x = d / CUTOFF
    val = (1.0
           - (p + 1) * (p + 2) / 2.0 * x ** p
           + p * (p + 2) * x ** (p + 1)
           - p * (p + 1) / 2.0 * x ** (p + 2))
    return jnp.where(d < CUTOFF, val, 0.0)[:, None]


def setup_inputs(seed: int = 0) -> dict:
    key = jax.random.key(seed)
    ks = jax.random.split(key, 10)
    D, R = DIM, RADIAL
    inp = {
        "vector_embeddings": jax.random.normal(ks[0], (N_ATOMS, D, 3), jnp.float32),
        "scalar_embeddings": jax.random.normal(ks[1], (N_ATOMS, D), jnp.float32),
        "neighbour_index": jax.random.randint(ks[2], (2, N_EDGES), 0, N_ATOMS, jnp.int32),
        "neighbour_vectors": jax.random.normal(ks[3], (N_EDGES, 3), jnp.float32),
        # filter generator linear: Bessel(R) -> 3*D
        "Wf": jax.random.normal(ks[4], (R, 3 * D), jnp.float32) / np.sqrt(R),
        "bf": jnp.zeros((3 * D,), jnp.float32),
        # phi MLP: [D, D, 3*D] with SiLU between
        "W1": jax.random.normal(ks[5], (D, D), jnp.float32) / np.sqrt(D),
        "b1": jnp.zeros((D,), jnp.float32),
        "W2": jax.random.normal(ks[6], (D, 3 * D), jnp.float32) / np.sqrt(D),
        "b2": jnp.zeros((3 * D,), jnp.float32),
    }
    return inp


def reference(vector_embeddings, scalar_embeddings, neighbour_index, neighbour_vectors, Wf, bf, W1, b1, W2, b2):
    central_atoms = neighbour_index[0]
    neighbours = neighbour_index[1]
    d = jnp.linalg.norm(neighbour_vectors, axis=-1)
    unit_vectors = neighbour_vectors / d[:, None]

    # continuous-filter generation: (Linear(Bessel(d))) * PolynomialEnvelope(d)  -> [E, 3D]
    filt = (bessel(d) @ Wf + bf) * poly_envelope(d)

    # phi MLP on scalar embeddings -> [N, 3D], gathered to edges via neighbours
    phi = jax.nn.silu(scalar_embeddings @ W1 + b1) @ W2 + b2
    x_ij = filt * phi[neighbours]  # [E, 3D]

    a, b, c = jnp.split(x_ij, 3, axis=-1)  # each [E, D]

    # scalar update: scatter-add over neighbour index
    delta_s = jnp.zeros_like(scalar_embeddings).at[neighbours].add(a)

    # vector update
    v_ij = b[:, :, None] * unit_vectors[:, None, :] + c[:, :, None] * vector_embeddings[neighbours]
    delta_v = jnp.zeros_like(vector_embeddings).at[neighbours].add(v_ij)

    return (delta_v, delta_s)

if __name__ == "__main__":
    import jax
    _d = setup_inputs()
    print(jax.jit(kernel)(*tuple(_d.values())))

</pallas_src>

<mosaic_0001>
#map = affine_map<(d0, d1) -> (0, 0)>
#map1 = affine_map<(d0, d1) -> (0, 0, 0)>
module attributes {stable_mosaic.version = 14 : i64} {
  func.func @_sc_scatter_body(%arg0: i32, %arg1: i32, %arg2: memref<327680x128xf32, #tpu.memory_space<hbm>>, %arg3: memref<32x80x128xi32, #tpu.memory_space<hbm>>, %arg4: memref<10240x128xf32, #tpu.memory_space<hbm>>, %arg5: memref<2x10240x128xf32, #tpu.memory_space<hbm>>, %arg6: memref<80x128xi32, #tpu.memory_space<vmem>>, %arg7: memref<128x128xf32, #tpu.memory_space<vmem>>, %arg8: memref<128x128xf32, #tpu.memory_space<vmem>>, %arg9: memref<!tpu.dma_semaphore, #tpu.memory_space<semaphore_mem>>, %arg10: memref<!tpu.dma_semaphore, #tpu.memory_space<semaphore_mem>>, %arg11: memref<10240x128xf32, #tpu.memory_space<vmem_shared>>) attributes {dimension_semantics = [#tpu.dimension_semantics<core_parallel>, #tpu.dimension_semantics<subcore_parallel>], iteration_bounds = array<i64: 2, 16>, scalar_prefetch = 0 : i64, scratch_operands = 6 : i64, tpu.core_type = #tpu.core_type<sc_vector_subcore>, window_params = [{transform_indices = #map}, {transform_indices = #map1}, {transform_indices = #map}, {transform_indices = #map1}]} {
    %mul3A = arith.constant 2 : i32
    %mul3A_0 = arith.muli %arg1, %mul3A : i32
    %add3A = arith.addi %mul3A_0, %arg0 : i32
    %scan3A = arith.constant 0 : i32
    %scan3A_1 = arith.constant 0 : i32
    %scan3A_2 = arith.constant 5 : i32
    %scan3A_3 = arith.addi %scan3A_1, %scan3A_2 : i32
    %scan3A_4 = arith.constant 1 : i32
    scf.for %scan3A_21 = %scan3A_1 to %scan3A_3 step %scan3A_4  : i32 {
      %mul3A_22 = arith.constant 640 : i32
      %mul3A_23 = arith.muli %arg1, %mul3A_22 : i32
      %mul3A_24 = arith.constant 128 : i32
      %mul3A_25 = arith.muli %scan3A_21, %mul3A_24 : i32
      %add3A_26 = arith.addi %mul3A_23, %mul3A_25 : i32
      "tpu.region"() ({
        %run_scoped3A = tpu.sem_alloc : memref<!tpu.dma_semaphore, #tpu.memory_space<semaphore_mem>>
        %dma_start3A = arith.constant 0 : i32
        %dma_start3A_32 = tpu.memref_slice %arg4[%add3A_26, %dma_start3A] : memref<10240x128xf32, #tpu.memory_space<hbm>> -> memref<128x128xf32, #tpu.memory_space<hbm>>
        %dma_start3A_33 = arith.constant 0 : i32
        %dma_start3A_34 = tpu.memref_slice %arg4[%add3A_26, %dma_start3A_33] : memref<10240x128xf32, #tpu.memory_space<hbm>> -> memref<128x128xf32, #tpu.memory_space<hbm>>
        tpu.enqueue_dma source(%dma_start3A_34 : memref<128x128xf32, #tpu.memory_space<hbm>>) target(%arg7 : memref<128x128xf32, #tpu.memory_space<vmem>>) target_semaphore(%run_scoped3A : memref<!tpu.dma_semaphore, #tpu.memory_space<semaphore_mem>>)
        %dma_wait3A = arith.constant 0 : i32
        %dma_wait3A_35 = tpu.memref_slice %arg4[%add3A_26, %dma_wait3A] : memref<10240x128xf32, #tpu.memory_space<hbm>> -> memref<128x128xf32, #tpu.memory_space<hbm>>
        %dma_wait3A_36 = arith.constant 0 : i32
        %dma_wait3A_37 = tpu.memref_slice %arg4[%add3A_26, %dma_wait3A_36] : memref<10240x128xf32, #tpu.memory_space<hbm>> -> memref<128x128xf32, #tpu.memory_space<hbm>>
        tpu.wait_dma2 semaphore(%run_scoped3A : memref<!tpu.dma_semaphore, #tpu.memory_space<semaphore_mem>>) src(%dma_wait3A_37 : memref<128x128xf32, #tpu.memory_space<hbm>>) dst(%arg7 : memref<128x128xf32, #tpu.memory_space<vmem>>)
        tpu.yield
      }) : () -> ()
      %mul3A_27 = arith.constant 640 : i32
      %mul3A_28 = arith.muli %arg1, %mul3A_27 : i32
      %mul3A_29 = arith.constant 128 : i32
      %mul3A_30 = arith.muli %scan3A_21, %mul3A_29 : i32
      %add3A_31 = arith.addi %mul3A_28, %mul3A_30 : i32
      "tpu.region"() ({
        %run_scoped3A = tpu.sem_alloc : memref<!tpu.dma_semaphore, #tpu.memory_space<semaphore_mem>>
        %dma_start3A = arith.constant 0 : i32
        %dma_start3A_32 = tpu.memref_slice %arg11[%add3A_31, %dma_start3A] : memref<10240x128xf32, #tpu.memory_space<vmem_shared>> -> memref<128x128xf32, #tpu.memory_space<vmem_shared>>
        %dma_start3A_33 = arith.constant 0 : i32
        %dma_start3A_34 = tpu.memref_slice %arg11[%add3A_31, %dma_start3A_33] : memref<10240x128xf32, #tpu.memory_space<vmem_shared>> -> memref<128x128xf32, #tpu.memory_space<vmem_shared>>
        tpu.enqueue_dma source(%arg7 : memref<128x128xf32, #tpu.memory_space<vmem>>) target(%dma_start3A_34 : memref<128x128xf32, #tpu.memory_space<vmem_shared>>) target_semaphore(%run_scoped3A : memref<!tpu.dma_semaphore, #tpu.memory_space<semaphore_mem>>)
        %dma_wait3A = arith.constant 0 : i32
        %dma_wait3A_35 = tpu.memref_slice %arg11[%add3A_31, %dma_wait3A] : memref<10240x128xf32, #tpu.memory_space<vmem_shared>> -> memref<128x128xf32, #tpu.memory_space<vmem_shared>>
        %dma_wait3A_36 = arith.constant 0 : i32
        %dma_wait3A_37 = tpu.memref_slice %arg11[%add3A_31, %dma_wait3A_36] : memref<10240x128xf32, #tpu.memory_space<vmem_shared>> -> memref<128x128xf32, #tpu.memory_space<vmem_shared>>
        tpu.wait_dma2 semaphore(%run_scoped3A : memref<!tpu.dma_semaphore, #tpu.memory_space<semaphore_mem>>) src(%arg7 : memref<128x128xf32, #tpu.memory_space<vmem>>) dst(%dma_wait3A_37 : memref<128x128xf32, #tpu.memory_space<vmem_shared>>)
        tpu.yield
      }) : () -> ()
    }
    %scan3A_5 = arith.constant 5 : i32
    %barrier3A = arith.constant 0 : index
    tpu.barrier barrier_id(%barrier3A)
    %mul3A_6 = arith.constant 10240 : i32
    %mul3A_7 = arith.muli %add3A, %mul3A_6 : i32
    "tpu.region"() ({
      %run_scoped3A = tpu.sem_alloc : memref<!tpu.dma_semaphore, #tpu.memory_space<semaphore_mem>>
      %dma_start3A = arith.constant 0 : i32
      %dma_start3A_21 = arith.constant 0 : i32
      %dma_start3A_22 = tpu.memref_slice %arg3[%add3A, %dma_start3A, %dma_start3A_21] : memref<32x80x128xi32, #tpu.memory_space<hbm>> -> memref<1x80x128xi32, #tpu.memory_space<hbm>>
      %dma_start3A_23 = tpu.memref_squeeze %dma_start3A_22 : memref<1x80x128xi32, #tpu.memory_space<hbm>> -> memref<80x128xi32, #tpu.memory_space<hbm>>
      %dma_start3A_24 = arith.constant 0 : i32
      %dma_start3A_25 = arith.constant 0 : i32
      %dma_start3A_26 = tpu.memref_slice %arg3[%add3A, %dma_start3A_24, %dma_start3A_25] : memref<32x80x128xi32, #tpu.memory_space<hbm>> -> memref<1x80x128xi32, #tpu.memory_space<hbm>>
      %dma_start3A_27 = tpu.memref_squeeze %dma_start3A_26 : memref<1x80x128xi32, #tpu.memory_space<hbm>> -> memref<80x128xi32, #tpu.memory_space<hbm>>
      tpu.enqueue_dma source(%dma_start3A_27 : memref<80x128xi32, #tpu.memory_space<hbm>>) target(%arg6 : memref<80x128xi32, #tpu.memory_space<vmem>>) target_semaphore(%run_scoped3A : memref<!tpu.dma_semaphore, #tpu.memory_space<semaphore_mem>>)
      %dma_wait3A = arith.constant 0 : i32
      %dma_wait3A_28 = arith.constant 0 : i32
      %dma_wait3A_29 = tpu.memref_slice %arg3[%add3A, %dma_wait3A, %dma_wait3A_28] : memref<32x80x128xi32, #tpu.memory_space<hbm>> -> memref<1x80x128xi32, #tpu.memory_space<hbm>>
      %dma_wait3A_30 = tpu.memref_squeeze %dma_wait3A_29 : memref<1x80x128xi32, #tpu.memory_space<hbm>> -> memref<80x128xi32, #tpu.memory_space<hbm>>
      %dma_wait3A_31 = arith.constant 0 : i32
      %dma_wait3A_32 = arith.constant 0 : i32
      %dma_wait3A_33 = tpu.memref_slice %arg3[%add3A, %dma_wait3A_31, %dma_wait3A_32] : memref<32x80x128xi32, #tpu.memory_space<hbm>> -> memref<1x80x128xi32, #tpu.memory_space<hbm>>
      %dma_wait3A_34 = tpu.memref_squeeze %dma_wait3A_33 : memref<1x80x128xi32, #tpu.memory_space<hbm>> -> memref<80x128xi32, #tpu.memory_space<hbm>>
      tpu.wait_dma2 semaphore(%run_scoped3A : memref<!tpu.dma_semaphore, #tpu.memory_space<semaphore_mem>>) src(%dma_wait3A_34 : memref<80x128xi32, #tpu.memory_space<hbm>>) dst(%arg6 : memref<80x128xi32, #tpu.memory_space<vmem>>)
      tpu.yield
    }) : () -> ()
    %scan3A_8 = arith.constant 0 : i32
    %scan3A_9 = arith.constant 0 : i32
    %scan3A_10 = arith.constant 40 : i32
    %scan3A_11 = arith.addi %scan3A_9, %scan3A_10 : i32
    %scan3A_12 = arith.constant 1 : i32
    scf.for %scan3A_21 = %scan3A_9 to %scan3A_11 step %scan3A_12  : i32 {
      %mul3A_22 = arith.constant 2 : i32
      %mul3A_23 = arith.muli %scan3A_21, %mul3A_22 : i32
      %mul3A_24 = arith.constant 128 : i32
      %mul3A_25 = arith.muli %mul3A_23, %mul3A_24 : i32
      %add3A_26 = arith.addi %mul3A_7, %mul3A_25 : i32
      %dma_start3A = arith.constant 0 : i32
      %dma_start3A_27 = tpu.memref_slice %arg2[%add3A_26, %dma_start3A] : memref<327680x128xf32, #tpu.memory_space<hbm>> -> memref<128x128xf32, #tpu.memory_space<hbm>>
      %dma_start3A_28 = arith.constant 0 : i32
      %dma_start3A_29 = tpu.memref_slice %arg2[%add3A_26, %dma_start3A_28] : memref<327680x128xf32, #tpu.memory_space<hbm>> -> memref<128x128xf32, #tpu.memory_space<hbm>>
      tpu.enqueue_dma source(%dma_start3A_29 : memref<128x128xf32, #tpu.memory_space<hbm>>) target(%arg7 : memref<128x128xf32, #tpu.memory_space<vmem>>) target_semaphore(%arg9 : memref<!tpu.dma_semaphore, #tpu.memory_space<semaphore_mem>>)
      %add3A_30 = arith.constant 1 : i32
      %add3A_31 = arith.addi %mul3A_23, %add3A_30 : i32
      %mul3A_32 = arith.constant 128 : i32
      %mul3A_33 = arith.muli %add3A_31, %mul3A_32 : i32
      %add3A_34 = arith.addi %mul3A_7, %mul3A_33 : i32
      %dma_start3A_35 = arith.constant 0 : i32
      %dma_start3A_36 = tpu.memref_slice %arg2[%add3A_34, %dma_start3A_35] : memref<327680x128xf32, #tpu.memory_space<hbm>> -> memref<128x128xf32, #tpu.memory_space<hbm>>
      %dma_start3A_37 = arith.constant 0 : i32
      %dma_start3A_38 = tpu.memref_slice %arg2[%add3A_34, %dma_start3A_37] : memref<327680x128xf32, #tpu.memory_space<hbm>> -> memref<128x128xf32, #tpu.memory_space<hbm>>
      tpu.enqueue_dma source(%dma_start3A_38 : memref<128x128xf32, #tpu.memory_space<hbm>>) target(%arg8 : memref<128x128xf32, #tpu.memory_space<vmem>>) target_semaphore(%arg10 : memref<!tpu.dma_semaphore, #tpu.memory_space<semaphore_mem>>)
      %dma_wait3A = arith.constant 0 : i32
      %dma_wait3A_39 = tpu.memref_slice %arg2[%add3A_26, %dma_wait3A] : memref<327680x128xf32, #tpu.memory_space<hbm>> -> memref<128x128xf32, #tpu.memory_space<hbm>>
      %dma_wait3A_40 = arith.constant 0 : i32
      %dma_wait3A_41 = tpu.memref_slice %arg2[%add3A_26, %dma_wait3A_40] : memref<327680x128xf32, #tpu.memory_space<hbm>> -> memref<128x128xf32, #tpu.memory_space<hbm>>
      tpu.wait_dma2 semaphore(%arg9 : memref<!tpu.dma_semaphore, #tpu.memory_space<semaphore_mem>>) src(%dma_wait3A_41 : memref<128x128xf32, #tpu.memory_space<hbm>>) dst(%arg7 : memref<128x128xf32, #tpu.memory_space<vmem>>)
      "tpu.region"() ({
        %run_scoped3A = tpu.sem_alloc : memref<!tpu.dma_semaphore, #tpu.memory_space<semaphore_mem>>
        %dma_start3A_48 = arith.constant 0 : i32
        %dma_start3A_49 = tpu.memref_slice %arg6[%mul3A_23, %dma_start3A_48] : memref<80x128xi32, #tpu.memory_space<vmem>> -> memref<1x128xi32, #tpu.memory_space<vmem>>
        %dma_start3A_50 = tpu.memref_squeeze %dma_start3A_49 : memref<1x128xi32, #tpu.memory_space<vmem>> -> memref<128xi32, #tpu.memory_space<vmem>>
        %dma_start3A_51 = arith.constant 0 : i32
        %dma_start3A_52 = arith.constant 0 : i32
        %dma_start3A_53 = tpu.memref_slice %arg11[%dma_start3A_51, %dma_start3A_52] : memref<10240x128xf32, #tpu.memory_space<vmem_shared>> -> memref<10240x128xf32, #tpu.memory_space<vmem_shared>>
        tpu.enqueue_indirect_dma source(%arg7 : memref<128x128xf32, #tpu.memory_space<vmem>>) target(%dma_start3A_53 : memref<10240x128xf32, #tpu.memory_space<vmem_shared>>) offsets(%dma_start3A_50 : memref<128xi32, #tpu.memory_space<vmem>>) semaphore(%run_scoped3A : memref<!tpu.dma_semaphore, #tpu.memory_space<semaphore_mem>>) {add = true}
        %dma_wait3A_54 = arith.constant 0 : i32
        %dma_wait3A_55 = tpu.memref_slice %arg6[%mul3A_23, %dma_wait3A_54] : memref<80x128xi32, #tpu.memory_space<vmem>> -> memref<1x128xi32, #tpu.memory_space<vmem>>
        %dma_wait3A_56 = tpu.memref_squeeze %dma_wait3A_55 : memref<1x128xi32, #tpu.memory_space<vmem>> -> memref<128xi32, #tpu.memory_space<vmem>>
        %dma_wait3A_57 = arith.constant 0 : i32
        %dma_wait3A_58 = arith.constant 0 : i32
        %dma_wait3A_59 = tpu.memref_slice %arg11[%dma_wait3A_57, %dma_wait3A_58] : memref<10240x128xf32, #tpu.memory_space<vmem_shared>> -> memref<10240x128xf32, #tpu.memory_space<vmem_shared>>
        tpu.wait_indirect_dma semaphore(%run_scoped3A : memref<!tpu.dma_semaphore, #tpu.memory_space<semaphore_mem>>) src(%arg7 : memref<128x128xf32, #tpu.memory_space<vmem>>) dst(%dma_wait3A_59 : memref<10240x128xf32, #tpu.memory_space<vmem_shared>>)
        tpu.yield
      }) : () -> ()
      %dma_wait3A_42 = arith.constant 0 : i32
      %dma_wait3A_43 = tpu.memref_slice %arg2[%add3A_34, %dma_wait3A_42] : memref<327680x128xf32, #tpu.memory_space<hbm>> -> memref<128x128xf32, #tpu.memory_space<hbm>>
      %dma_wait3A_44 = arith.constant 0 : i32
      %dma_wait3A_45 = tpu.memref_slice %arg2[%add3A_34, %dma_wait3A_44] : memref<327680x128xf32, #tpu.memory_space<hbm>> -> memref<128x128xf32, #tpu.memory_space<hbm>>
      tpu.wait_dma2 semaphore(%arg10 : memref<!tpu.dma_semaphore, #tpu.memory_space<semaphore_mem>>) src(%dma_wait3A_45 : memref<128x128xf32, #tpu.memory_space<hbm>>) dst(%arg8 : memref<128x128xf32, #tpu.memory_space<vmem>>)
      %add3A_46 = arith.constant 1 : i32
      %add3A_47 = arith.addi %mul3A_23, %add3A_46 : i32
      "tpu.region"() ({
        %run_scoped3A = tpu.sem_alloc : memref<!tpu.dma_semaphore, #tpu.memory_space<semaphore_mem>>
        %dma_start3A_48 = arith.constant 0 : i32
        %dma_start3A_49 = tpu.memref_slice %arg6[%add3A_47, %dma_start3A_48] : memref<80x128xi32, #tpu.memory_space<vmem>> -> memref<1x128xi32, #tpu.memory_space<vmem>>
        %dma_start3A_50 = tpu.memref_squeeze %dma_start3A_49 : memref<1x128xi32, #tpu.memory_space<vmem>> -> memref<128xi32, #tpu.memory_space<vmem>>
        %dma_start3A_51 = arith.constant 0 : i32
        %dma_start3A_52 = arith.constant 0 : i32
        %dma_start3A_53 = tpu.memref_slice %arg11[%dma_start3A_51, %dma_start3A_52] : memref<10240x128xf32, #tpu.memory_space<vmem_shared>> -> memref<10240x128xf32, #tpu.memory_space<vmem_shared>>
        tpu.enqueue_indirect_dma source(%arg8 : memref<128x128xf32, #tpu.memory_space<vmem>>) target(%dma_start3A_53 : memref<10240x128xf32, #tpu.memory_space<vmem_shared>>) offsets(%dma_start3A_50 : memref<128xi32, #tpu.memory_space<vmem>>) semaphore(%run_scoped3A : memref<!tpu.dma_semaphore, #tpu.memory_space<semaphore_mem>>) {add = true}
        %dma_wait3A_54 = arith.constant 0 : i32
        %dma_wait3A_55 = tpu.memref_slice %arg6[%add3A_47, %dma_wait3A_54] : memref<80x128xi32, #tpu.memory_space<vmem>> -> memref<1x128xi32, #tpu.memory_space<vmem>>
        %dma_wait3A_56 = tpu.memref_squeeze %dma_wait3A_55 : memref<1x128xi32, #tpu.memory_space<vmem>> -> memref<128xi32, #tpu.memory_space<vmem>>
        %dma_wait3A_57 = arith.constant 0 : i32
        %dma_wait3A_58 = arith.constant 0 : i32
        %dma_wait3A_59 = tpu.memref_slice %arg11[%dma_wait3A_57, %dma_wait3A_58] : memref<10240x128xf32, #tpu.memory_space<vmem_shared>> -> memref<10240x128xf32, #tpu.memory_space<vmem_shared>>
        tpu.wait_indirect_dma semaphore(%run_scoped3A : memref<!tpu.dma_semaphore, #tpu.memory_space<semaphore_mem>>) src(%arg8 : memref<128x128xf32, #tpu.memory_space<vmem>>) dst(%dma_wait3A_59 : memref<10240x128xf32, #tpu.memory_space<vmem_shared>>)
        tpu.yield
      }) : () -> ()
    }
    %scan3A_13 = arith.constant 40 : i32
    %barrier3A_14 = arith.constant 0 : index
    tpu.barrier barrier_id(%barrier3A_14)
    %scan3A_15 = arith.constant 0 : i32
    %scan3A_16 = arith.constant 0 : i32
    %scan3A_17 = arith.constant 5 : i32
    %scan3A_18 = arith.addi %scan3A_16, %scan3A_17 : i32
    %scan3A_19 = arith.constant 1 : i32
    scf.for %scan3A_21 = %scan3A_16 to %scan3A_18 step %scan3A_19  : i32 {
      %mul3A_22 = arith.constant 640 : i32
      %mul3A_23 = arith.muli %arg1, %mul3A_22 : i32
      %mul3A_24 = arith.constant 128 : i32
      %mul3A_25 = arith.muli %scan3A_21, %mul3A_24 : i32
      %add3A_26 = arith.addi %mul3A_23, %mul3A_25 : i32
      "tpu.region"() ({
        %run_scoped3A = tpu.sem_alloc : memref<!tpu.dma_semaphore, #tpu.memory_space<semaphore_mem>>
        %dma_start3A = arith.constant 0 : i32
        %dma_start3A_32 = tpu.memref_slice %arg11[%add3A_26, %dma_start3A] : memref<10240x128xf32, #tpu.memory_space<vmem_shared>> -> memref<128x128xf32, #tpu.memory_space<vmem_shared>>
        %dma_start3A_33 = arith.constant 0 : i32
        %dma_start3A_34 = tpu.memref_slice %arg11[%add3A_26, %dma_start3A_33] : memref<10240x128xf32, #tpu.memory_space<vmem_shared>> -> memref<128x128xf32, #tpu.memory_space<vmem_shared>>
        tpu.enqueue_dma source(%dma_start3A_34 : memref<128x128xf32, #tpu.memory_space<vmem_shared>>) target(%arg7 : memref<128x128xf32, #tpu.memory_space<vmem>>) target_semaphore(%run_scoped3A : memref<!tpu.dma_semaphore, #tpu.memory_space<semaphore_mem>>)
        %dma_wait3A = arith.constant 0 : i32
        %dma_wait3A_35 = tpu.memref_slice %arg11[%add3A_26, %dma_wait3A] : memref<10240x128xf32, #tpu.memory_space<vmem_shared>> -> memref<128x128xf32, #tpu.memory_space<vmem_shared>>
        %dma_wait3A_36 = arith.constant 0 : i32
        %dma_wait3A_37 = tpu.memref_slice %arg11[%add3A_26, %dma_wait3A_36] : memref<10240x128xf32, #tpu.memory_space<vmem_shared>> -> memref<128x128xf32, #tpu.memory_space<vmem_shared>>
        tpu.wait_dma2 semaphore(%run_scoped3A : memref<!tpu.dma_semaphore, #tpu.memory_space<semaphore_mem>>) src(%dma_wait3A_37 : memref<128x128xf32, #tpu.memory_space<vmem_shared>>) dst(%arg7 : memref<128x128xf32, #tpu.memory_space<vmem>>)
        tpu.yield
      }) : () -> ()
      %mul3A_27 = arith.constant 640 : i32
      %mul3A_28 = arith.muli %arg1, %mul3A_27 : i32
      %mul3A_29 = arith.constant 128 : i32
      %mul3A_30 = arith.muli %scan3A_21, %mul3A_29 : i32
      %add3A_31 = arith.addi %mul3A_28, %mul3A_30 : i32
      "tpu.region"() ({
        %run_scoped3A = tpu.sem_alloc : memref<!tpu.dma_semaphore, #tpu.memory_space<semaphore_mem>>
        %dma_start3A = arith.constant 0 : i32
        %dma_start3A_32 = arith.constant 0 : i32
        %dma_start3A_33 = tpu.memref_slice %arg5[%arg0, %dma_start3A, %dma_start3A_32] : memref<2x10240x128xf32, #tpu.memory_space<hbm>> -> memref<1x10240x128xf32, #tpu.memory_space<hbm>>
        %dma_start3A_34 = tpu.memref_squeeze %dma_start3A_33 : memref<1x10240x128xf32, #tpu.memory_space<hbm>> -> memref<10240x128xf32, #tpu.memory_space<hbm>>
        %dma_start3A_35 = arith.constant 0 : i32
        %dma_start3A_36 = tpu.memref_slice %dma_start3A_34[%add3A_31, %dma_start3A_35] : memref<10240x128xf32, #tpu.memory_space<hbm>> -> memref<128x128xf32, #tpu.memory_space<hbm>>
        %dma_start3A_37 = arith.constant 0 : i32
        %dma_start3A_38 = arith.constant 0 : i32
        %dma_start3A_39 = tpu.memref_slice %arg5[%arg0, %dma_start3A_37, %dma_start3A_38] : memref<2x10240x128xf32, #tpu.memory_space<hbm>> -> memref<1x10240x128xf32, #tpu.memory_space<hbm>>
        %dma_start3A_40 = tpu.memref_squeeze %dma_start3A_39 : memref<1x10240x128xf32, #tpu.memory_space<hbm>> -> memref<10240x128xf32, #tpu.memory_space<hbm>>
        %dma_start3A_41 = arith.constant 0 : i32
        %dma_start3A_42 = tpu.memref_slice %dma_start3A_40[%add3A_31, %dma_start3A_41] : memref<10240x128xf32, #tpu.memory_space<hbm>> -> memref<128x128xf32, #tpu.memory_space<hbm>>
        tpu.enqueue_dma source(%arg7 : memref<128x128xf32, #tpu.memory_space<vmem>>) target(%dma_start3A_42 : memref<128x128xf32, #tpu.memory_space<hbm>>) target_semaphore(%run_scoped3A : memref<!tpu.dma_semaphore, #tpu.memory_space<semaphore_mem>>)
        %dma_wait3A = arith.constant 0 : i32
        %dma_wait3A_43 = arith.constant 0 : i32
        %dma_wait3A_44 = tpu.memref_slice %arg5[%arg0, %dma_wait3A, %dma_wait3A_43] : memref<2x10240x128xf32, #tpu.memory_space<hbm>> -> memref<1x10240x128xf32, #tpu.memory_space<hbm>>
        %dma_wait3A_45 = tpu.memref_squeeze %dma_wait3A_44 : memref<1x10240x128xf32, #tpu.memory_space<hbm>> -> memref<10240x128xf32, #tpu.memory_space<hbm>>
        %dma_wait3A_46 = arith.constant 0 : i32
        %dma_wait3A_47 = tpu.memref_slice %dma_wait3A_45[%add3A_31, %dma_wait3A_46] : memref<10240x128xf32, #tpu.memory_space<hbm>> -> memref<128x128xf32, #tpu.memory_space<hbm>>
        %dma_wait3A_48 = arith.constant 0 : i32
        %dma_wait3A_49 = arith.constant 0 : i32
        %dma_wait3A_50 = tpu.memref_slice %arg5[%arg0, %dma_wait3A_48, %dma_wait3A_49] : memref<2x10240x128xf32, #tpu.memory_space<hbm>> -> memref<1x10240x128xf32, #tpu.memory_space<hbm>>
        %dma_wait3A_51 = tpu.memref_squeeze %dma_wait3A_50 : memref<1x10240x128xf32, #tpu.memory_space<hbm>> -> memref<10240x128xf32, #tpu.memory_space<hbm>>
        %dma_wait3A_52 = arith.constant 0 : i32
        %dma_wait3A_53 = tpu.memref_slice %dma_wait3A_51[%add3A_31, %dma_wait3A_52] : memref<10240x128xf32, #tpu.memory_space<hbm>> -> memref<128x128xf32, #tpu.memory_space<hbm>>
        tpu.wait_dma2 semaphore(%run_scoped3A : memref<!tpu.dma_semaphore, #tpu.memory_space<semaphore_mem>>) src(%arg7 : memref<128x128xf32, #tpu.memory_space<vmem>>) dst(%dma_wait3A_53 : memref<128x128xf32, #tpu.memory_space<hbm>>)
        tpu.yield
      }) : () -> ()
    }
    %scan3A_20 = arith.constant 5 : i32
    return
  }
}

module attributes {stable_mosaic.version = 14 : i64} {
  func.func @_edge_body(%arg0: i32, %arg1: memref<32x128xf32, #tpu.memory_space<vmem>>, %arg2: memref<32x128xf32, #tpu.memory_space<vmem>>, %arg3: memref<32x128xf32, #tpu.memory_space<vmem>>, %arg4: memref<32x128x128xf32, #tpu.memory_space<vmem>>) attributes {dimension_semantics = [#tpu.dimension_semantics<arbitrary>], iteration_bounds = array<i64: 80>, scalar_prefetch = 0 : i64, scratch_operands = 0 : i64, tpu.core_type = #tpu.core_type<tc>, window_params = [{transform_indices = @transform_0, window_bounds = array<i64: 32, 128>}, {transform_indices = @transform_1, window_bounds = array<i64: 32, 128>}, {transform_indices = @transform_2, window_bounds = array<i64: 32, 128>}, {transform_indices = @transform_3, window_bounds = array<i64: 32, 128, 128>}]} {
    %get3A = arith.constant 0 : index
    %get3A_0 = arith.constant 0 : index
    %get3A_1 = vector.load %arg1[%get3A, %get3A_0] : memref<32x128xf32, #tpu.memory_space<vmem>>, vector<32x128xf32>
    %get3A_2 = arith.constant 0 : index
    %get3A_3 = arith.constant 0 : index
    %get3A_4 = vector.load %arg2[%get3A_2, %get3A_3] : memref<32x128xf32, #tpu.memory_space<vmem>>, vector<32x128xf32>
    %get3A_5 = arith.constant 0 : index
    %get3A_6 = arith.constant 0 : index
    %get3A_7 = vector.load %arg3[%get3A_5, %get3A_6] : memref<32x128xf32, #tpu.memory_space<vmem>>, vector<32x128xf32>
    %mul3A = arith.mulf %get3A_1, %get3A_1 : vector<32x128xf32>
    %mul3A_8 = arith.mulf %get3A_4, %get3A_4 : vector<32x128xf32>
    %add3A = arith.addf %mul3A, %mul3A_8 : vector<32x128xf32>
    %mul3A_9 = arith.mulf %get3A_7, %get3A_7 : vector<32x128xf32>
    %add3A_10 = arith.addf %add3A, %mul3A_9 : vector<32x128xf32>
    %sqrt3A = math.sqrt %add3A_10 : vector<32x128xf32>
    %div3A = arith.constant 1.000000e+00 : f32
    %div3A_11 = vector.broadcast %div3A : f32 to vector<32x128xf32>
    %div3A_12 = arith.divf %div3A_11, %sqrt3A : vector<32x128xf32>
    %mul3A_13 = arith.mulf %get3A_1, %div3A_12 : vector<32x128xf32>
    %mul3A_14 = arith.mulf %get3A_4, %div3A_12 : vector<32x128xf32>
    %mul3A_15 = arith.mulf %get3A_7, %div3A_12 : vector<32x128xf32>
    %div3A_16 = arith.constant 5.000000e+00 : f32
    %div3A_17 = vector.broadcast %div3A_16 : f32 to vector<32x128xf32>
    %div3A_18 = arith.divf %sqrt3A, %div3A_17 : vector<32x128xf32>
    %mul3A_19 = arith.mulf %div3A_18, %div3A_18 : vector<32x128xf32>
    %mul3A_20 = arith.mulf %mul3A_19, %div3A_18 : vector<32x128xf32>
    %mul3A_21 = arith.mulf %mul3A_20, %mul3A_20 : vector<32x128xf32>
    %mul3A_22 = arith.mulf %mul3A_21, %div3A_18 : vector<32x128xf32>
    %mul3A_23 = arith.mulf %mul3A_22, %div3A_18 : vector<32x128xf32>
    %lt3A = arith.constant 5.000000e+00 : f32
    %lt3A_24 = vector.broadcast %lt3A : f32 to vector<32x128xf32>
    %lt3A_25 = arith.cmpf olt, %sqrt3A, %lt3A_24 : vector<32x128xf32>
    %mul3A_26 = arith.constant 2.800000e+01 : f32
    %mul3A_27 = vector.broadcast %mul3A_26 : f32 to vector<32x128xf32>
    %mul3A_28 = arith.mulf %mul3A_27, %mul3A_21 : vector<32x128xf32>
    %sub3A = arith.constant 1.000000e+00 : f32
    %sub3A_29 = vector.broadcast %sub3A : f32 to vector<32x128xf32>
    %sub3A_30 = arith.subf %sub3A_29, %mul3A_28 : vector<32x128xf32>
    %mul3A_31 = arith.constant 4.800000e+01 : f32
    %mul3A_32 = vector.broadcast %mul3A_31 : f32 to vector<32x128xf32>
    %mul3A_33 = arith.mulf %mul3A_32, %mul3A_22 : vector<32x128xf32>
    %add3A_34 = arith.addf %sub3A_30, %mul3A_33 : vector<32x128xf32>
    %mul3A_35 = arith.constant 2.100000e+01 : f32
    %mul3A_36 = vector.broadcast %mul3A_35 : f32 to vector<32x128xf32>
    %mul3A_37 = arith.mulf %mul3A_36, %mul3A_23 : vector<32x128xf32>
    %sub3A_38 = arith.subf %add3A_34, %mul3A_37 : vector<32x128xf32>
    %jit3A = arith.constant 0.000000e+00 : f32
    %broadcast_in_dim3A = vector.broadcast %jit3A : f32 to vector<32x128xf32>
    %select_n3A = arith.select %lt3A_25, %sub3A_38, %broadcast_in_dim3A : vector<32x128xi1>, vector<32x128xf32>
    %sqrt3A_39 = arith.constant 4.000000e-01 : f32
    %sqrt3A_40 = math.sqrt %sqrt3A_39 : f32
    %mul3A_41 = vector.broadcast %sqrt3A_40 : f32 to vector<32x128xf32>
    %mul3A_42 = arith.mulf %mul3A_41, %div3A_12 : vector<32x128xf32>
    %mul3A_43 = arith.mulf %mul3A_42, %select_n3A : vector<32x128xf32>
    %broadcast_in_dim3A_44 = arith.constant 0.000000e+00 : f32
    %broadcast_in_dim3A_45 = vector.broadcast %broadcast_in_dim3A_44 : f32 to vector<32x128xf32>
    %mul3A_46 = arith.constant 0.628318548 : f32
    %mul3A_47 = vector.broadcast %mul3A_46 : f32 to vector<32x128xf32>
    %mul3A_48 = arith.mulf %sqrt3A, %mul3A_47 : vector<32x128xf32>
    %sin3A = math.sin %mul3A_48 : vector<32x128xf32>
    %mul3A_49 = arith.mulf %mul3A_43, %sin3A : vector<32x128xf32>
    %mul3A_50 = arith.constant 1.2566371 : f32
    %mul3A_51 = vector.broadcast %mul3A_50 : f32 to vector<32x128xf32>
    %mul3A_52 = arith.mulf %sqrt3A, %mul3A_51 : vector<32x128xf32>
    %sin3A_53 = math.sin %mul3A_52 : vector<32x128xf32>
    %mul3A_54 = arith.mulf %mul3A_43, %sin3A_53 : vector<32x128xf32>
    %mul3A_55 = arith.constant 1.88495564 : f32
    %mul3A_56 = vector.broadcast %mul3A_55 : f32 to vector<32x128xf32>
    %mul3A_57 = arith.mulf %sqrt3A, %mul3A_56 : vector<32x128xf32>
    %sin3A_58 = math.sin %mul3A_57 : vector<32x128xf32>
    %mul3A_59 = arith.mulf %mul3A_43, %sin3A_58 : vector<32x128xf32>
    %mul3A_60 = arith.constant 2.51327419 : f32
    %mul3A_61 = vector.broadcast %mul3A_60 : f32 to vector<32x128xf32>
    %mul3A_62 = arith.mulf %sqrt3A, %mul3A_61 : vector<32x128xf32>
    %sin3A_63 = math.sin %mul3A_62 : vector<32x128xf32>
    %mul3A_64 = arith.mulf %mul3A_43, %sin3A_63 : vector<32x128xf32>
    %mul3A_65 = arith.constant 3.14159274 : f32
    %mul3A_66 = vector.broadcast %mul3A_65 : f32 to vector<32x128xf32>
    %mul3A_67 = arith.mulf %sqrt3A, %mul3A_66 : vector<32x128xf32>
    %sin3A_68 = math.sin %mul3A_67 : vector<32x128xf32>
    %mul3A_69 = arith.mulf %mul3A_43, %sin3A_68 : vector<32x128xf32>
    %mul3A_70 = arith.constant 3.76991129 : f32
    %mul3A_71 = vector.broadcast %mul3A_70 : f32 to vector<32x128xf32>
    %mul3A_72 = arith.mulf %sqrt3A, %mul3A_71 : vector<32x128xf32>
    %sin3A_73 = math.sin %mul3A_72 : vector<32x128xf32>
    %mul3A_74 = arith.mulf %mul3A_43, %sin3A_73 : vector<32x128xf32>
    %mul3A_75 = arith.constant 4.3982296 : f32
    %mul3A_76 = vector.broadcast %mul3A_75 : f32 to vector<32x128xf32>
    %mul3A_77 = arith.mulf %sqrt3A, %mul3A_76 : vector<32x128xf32>
    %sin3A_78 = math.sin %mul3A_77 : vector<32x128xf32>
    %mul3A_79 = arith.mulf %mul3A_43, %sin3A_78 : vector<32x128xf32>
    %mul3A_80 = arith.constant 5.02654839 : f32
    %mul3A_81 = vector.broadcast %mul3A_80 : f32 to vector<32x128xf32>
    %mul3A_82 = arith.mulf %sqrt3A, %mul3A_81 : vector<32x128xf32>
    %sin3A_83 = math.sin %mul3A_82 : vector<32x128xf32>
    %mul3A_84 = arith.mulf %mul3A_43, %sin3A_83 : vector<32x128xf32>
    %mul3A_85 = arith.mulf %mul3A_49, %mul3A_13 : vector<32x128xf32>
    %mul3A_86 = arith.mulf %mul3A_54, %mul3A_13 : vector<32x128xf32>
    %mul3A_87 = arith.mulf %mul3A_59, %mul3A_13 : vector<32x128xf32>
    %mul3A_88 = arith.mulf %mul3A_64, %mul3A_13 : vector<32x128xf32>
    %mul3A_89 = arith.mulf %mul3A_69, %mul3A_13 : vector<32x128xf32>
    %mul3A_90 = arith.mulf %mul3A_74, %mul3A_13 : vector<32x128xf32>
    %mul3A_91 = arith.mulf %mul3A_79, %mul3A_13 : vector<32x128xf32>
    %mul3A_92 = arith.mulf %mul3A_84, %mul3A_13 : vector<32x128xf32>
    %mul3A_93 = arith.mulf %select_n3A, %mul3A_13 : vector<32x128xf32>
    %mul3A_94 = arith.mulf %broadcast_in_dim3A_45, %mul3A_13 : vector<32x128xf32>
    %mul3A_95 = arith.mulf %broadcast_in_dim3A_45, %mul3A_13 : vector<32x128xf32>
    %mul3A_96 = arith.mulf %broadcast_in_dim3A_45, %mul3A_13 : vector<32x128xf32>
    %mul3A_97 = arith.mulf %mul3A_49, %mul3A_14 : vector<32x128xf32>
    %mul3A_98 = arith.mulf %mul3A_54, %mul3A_14 : vector<32x128xf32>
    %mul3A_99 = arith.mulf %mul3A_59, %mul3A_14 : vector<32x128xf32>
    %mul3A_100 = arith.mulf %mul3A_64, %mul3A_14 : vector<32x128xf32>
    %mul3A_101 = arith.mulf %mul3A_69, %mul3A_14 : vector<32x128xf32>
    %mul3A_102 = arith.mulf %mul3A_74, %mul3A_14 : vector<32x128xf32>
    %mul3A_103 = arith.mulf %mul3A_79, %mul3A_14 : vector<32x128xf32>
    %mul3A_104 = arith.mulf %mul3A_84, %mul3A_14 : vector<32x128xf32>
    %mul3A_105 = arith.mulf %select_n3A, %mul3A_14 : vector<32x128xf32>
    %mul3A_106 = arith.mulf %broadcast_in_dim3A_45, %mul3A_14 : vector<32x128xf32>
    %mul3A_107 = arith.mulf %broadcast_in_dim3A_45, %mul3A_14 : vector<32x128xf32>
    %mul3A_108 = arith.mulf %broadcast_in_dim3A_45, %mul3A_14 : vector<32x128xf32>
    %mul3A_109 = arith.mulf %mul3A_49, %mul3A_15 : vector<32x128xf32>
    %mul3A_110 = arith.mulf %mul3A_54, %mul3A_15 : vector<32x128xf32>
    %mul3A_111 = arith.mulf %mul3A_59, %mul3A_15 : vector<32x128xf32>
    %mul3A_112 = arith.mulf %mul3A_64, %mul3A_15 : vector<32x128xf32>
    %mul3A_113 = arith.mulf %mul3A_69, %mul3A_15 : vector<32x128xf32>
    %mul3A_114 = arith.mulf %mul3A_74, %mul3A_15 : vector<32x128xf32>
    %mul3A_115 = arith.mulf %mul3A_79, %mul3A_15 : vector<32x128xf32>
    %mul3A_116 = arith.mulf %mul3A_84, %mul3A_15 : vector<32x128xf32>
    %mul3A_117 = arith.mulf %select_n3A, %mul3A_15 : vector<32x128xf32>
    %mul3A_118 = arith.mulf %broadcast_in_dim3A_45, %mul3A_15 : vector<32x128xf32>
    %mul3A_119 = arith.mulf %broadcast_in_dim3A_45, %mul3A_15 : vector<32x128xf32>
    %mul3A_120 = arith.mulf %broadcast_in_dim3A_45, %mul3A_15 : vector<32x128xf32>
    %stack3A = vector.shape_cast %mul3A_49 : vector<32x128xf32> to vector<32x1x128xf32>
    %stack3A_121 = vector.shape_cast %mul3A_54 : vector<32x128xf32> to vector<32x1x128xf32>
    %stack3A_122 = vector.shape_cast %mul3A_59 : vector<32x128xf32> to vector<32x1x128xf32>
    %stack3A_123 = vector.shape_cast %mul3A_64 : vector<32x128xf32> to vector<32x1x128xf32>
    %stack3A_124 = vector.shape_cast %mul3A_69 : vector<32x128xf32> to vector<32x1x128xf32>
    %stack3A_125 = vector.shape_cast %mul3A_74 : vector<32x128xf32> to vector<32x1x128xf32>
    %stack3A_126 = vector.shape_cast %mul3A_79 : vector<32x128xf32> to vector<32x1x128xf32>
    %stack3A_127 = vector.shape_cast %mul3A_84 : vector<32x128xf32> to vector<32x1x128xf32>
    %stack3A_128 = vector.shape_cast %select_n3A : vector<32x128xf32> to vector<32x1x128xf32>
    %stack3A_129 = vector.shape_cast %broadcast_in_dim3A_45 : vector<32x128xf32> to vector<32x1x128xf32>
    %stack3A_130 = vector.shape_cast %broadcast_in_dim3A_45 : vector<32x128xf32> to vector<32x1x128xf32>
    %stack3A_131 = vector.shape_cast %broadcast_in_dim3A_45 : vector<32x128xf32> to vector<32x1x128xf32>
    %stack3A_132 = vector.shape_cast %mul3A_85 : vector<32x128xf32> to vector<32x1x128xf32>
    %stack3A_133 = vector.shape_cast %mul3A_86 : vector<32x128xf32> to vector<32x1x128xf32>
    %stack3A_134 = vector.shape_cast %mul3A_87 : vector<32x128xf32> to vector<32x1x128xf32>
    %stack3A_135 = vector.shape_cast %mul3A_88 : vector<32x128xf32> to vector<32x1x128xf32>
    %stack3A_136 = vector.shape_cast %mul3A_89 : vector<32x128xf32> to vector<32x1x128xf32>
    %stack3A_137 = vector.shape_cast %mul3A_90 : vector<32x128xf32> to vector<32x1x128xf32>
    %stack3A_138 = vector.shape_cast %mul3A_91 : vector<32x128xf32> to vector<32x1x128xf32>
    %stack3A_139 = vector.shape_cast %mul3A_92 : vector<32x128xf32> to vector<32x1x128xf32>
    %stack3A_140 = vector.shape_cast %mul3A_93 : vector<32x128xf32> to vector<32x1x128xf32>
    %stack3A_141 = vector.shape_cast %mul3A_94 : vector<32x128xf32> to vector<32x1x128xf32>
    %stack3A_142 = vector.shape_cast %mul3A_95 : vector<32x128xf32> to vector<32x1x128xf32>
    %stack3A_143 = vector.shape_cast %mul3A_96 : vector<32x128xf32> to vector<32x1x128xf32>
    %stack3A_144 = vector.shape_cast %mul3A_97 : vector<32x128xf32> to vector<32x1x128xf32>
    %stack3A_145 = vector.shape_cast %mul3A_98 : vector<32x128xf32> to vector<32x1x128xf32>
    %stack3A_146 = vector.shape_cast %mul3A_99 : vector<32x128xf32> to vector<32x1x128xf32>
    %stack3A_147 = vector.shape_cast %mul3A_100 : vector<32x128xf32> to vector<32x1x128xf32>
    %stack3A_148 = vector.shape_cast %mul3A_101 : vector<32x128xf32> to vector<32x1x128xf32>
    %stack3A_149 = vector.shape_cast %mul3A_102 : vector<32x128xf32> to vector<32x1x128xf32>
    %stack3A_150 = vector.shape_cast %mul3A_103 : vector<32x128xf32> to vector<32x1x128xf32>
    %stack3A_151 = vector.shape_cast %mul3A_104 : vector<32x128xf32> to vector<32x1x128xf32>
    %stack3A_152 = vector.shape_cast %mul3A_105 : vector<32x128xf32> to vector<32x1x128xf32>
    %stack3A_153 = vector.shape_cast %mul3A_106 : vector<32x128xf32> to vector<32x1x128xf32>
    %stack3A_154 = vector.shape_cast %mul3A_107 : vector<32x128xf32> to vector<32x1x128xf32>
    %stack3A_155 = vector.shape_cast %mul3A_108 : vector<32x128xf32> to vector<32x1x128xf32>
    %stack3A_156 = vector.shape_cast %mul3A_109 : vector<32x128xf32> to vector<32x1x128xf32>
    %stack3A_157 = vector.shape_cast %mul3A_110 : vector<32x128xf32> to vector<32x1x128xf32>
    %stack3A_158 = vector.shape_cast %mul3A_111 : vector<32x128xf32> to vector<32x1x128xf32>
    %stack3A_159 = vector.shape_cast %mul3A_112 : vector<32x128xf32> to vector<32x1x128xf32>
    %stack3A_160 = vector.shape_cast %mul3A_113 : vector<32x128xf32> to vector<32x1x128xf32>
    %stack3A_161 = vector.shape_cast %mul3A_114 : vector<32x128xf32> to vector<32x1x128xf32>
    %stack3A_162 = vector.shape_cast %mul3A_115 : vector<32x128xf32> to vector<32x1x128xf32>
    %stack3A_163 = vector.shape_cast %mul3A_116 : vector<32x128xf32> to vector<32x1x128xf32>
    %stack3A_164 = vector.shape_cast %mul3A_117 : vector<32x128xf32> to vector<32x1x128xf32>
    %stack3A_165 = vector.shape_cast %mul3A_118 : vector<32x128xf32> to vector<32x1x128xf32>
    %stack3A_166 = vector.shape_cast %mul3A_119 : vector<32x128xf32> to vector<32x1x128xf32>
    %stack3A_167 = vector.shape_cast %mul3A_120 : vector<32x128xf32> to vector<32x1x128xf32>
    %stack3A_168 = tpu.concatenate %stack3A, %stack3A_121, %stack3A_122, %stack3A_123, %stack3A_124, %stack3A_125, %stack3A_126, %stack3A_127, %stack3A_128, %stack3A_129, %stack3A_130, %stack3A_131, %stack3A_132, %stack3A_133, %stack3A_134, %stack3A_135, %stack3A_136, %stack3A_137, %stack3A_138, %stack3A_139, %stack3A_140, %stack3A_141, %stack3A_142, %stack3A_143, %stack3A_144, %stack3A_145, %stack3A_146, %stack3A_147, %stack3A_148, %stack3A_149, %stack3A_150, %stack3A_151, %stack3A_152, %stack3A_153, %stack3A_154, %stack3A_155, %stack3A_156, %stack3A_157, %stack3A_158, %stack3A_159, %stack3A_160, %stack3A_161, %stack3A_162, %stack3A_163, %stack3A_164, %stack3A_165, %stack3A_166, %stack3A_167 in 1 : vector<32x1x128xf32>, vector<32x1x128xf32>, vector<32x1x128xf32>, vector<32x1x128xf32>, vector<32x1x128xf32>, vector<32x1x128xf32>, vector<32x1x128xf32>, vector<32x1x128xf32>, vector<32x1x128xf32>, vector<32x1x128xf32>, vector<32x1x128xf32>, vector<32x1x128xf32>, vector<32x1x128xf32>, vector<32x1x128xf32>, vector<32x1x128xf32>, vector<32x1x128xf32>, vector<32x1x128xf32>, vector<32x1x128xf32>, vector<32x1x128xf32>, vector<32x1x128xf32>, vector<32x1x128xf32>, vector<32x1x128xf32>, vector<32x1x128xf32>, vector<32x1x128xf32>, vector<32x1x128xf32>, vector<32x1x128xf32>, vector<32x1x128xf32>, vector<32x1x128xf32>, vector<32x1x128xf32>, vector<32x1x128xf32>, vector<32x1x128xf32>, vector<32x1x128xf32>, vector<32x1x128xf32>, vector<32x1x128xf32>, vector<32x1x128xf32>, vector<32x1x128xf32>, vector<32x1x128xf32>, vector<32x1x128xf32>, vector<32x1x128xf32>, vector<32x1x128xf32>, vector<32x1x128xf32>, vector<32x1x128xf32>, vector<32x1x128xf32>, vector<32x1x128xf32>, vector<32x1x128xf32>, vector<32x1x128xf32>, vector<32x1x128xf32>, vector<32x1x128xf32> -> vector<32x48x128xf32>
    %transpose3A = tpu.transpose %stack3A_168, [0, 2, 1] : vector<32x48x128xf32> -> vector<32x128x48xf32>
    %broadcast_in_dim3A_169 = arith.constant 0.000000e+00 : f32
    %broadcast_in_dim3A_170 = vector.broadcast %broadcast_in_dim3A_169 : f32 to vector<32x128x80xf32>
    %concatenate3A = tpu.concatenate %transpose3A, %broadcast_in_dim3A_170 in 2 : vector<32x128x48xf32>, vector<32x128x80xf32> -> vector<32x128x128xf32>
    %swap3A = arith.constant 0 : index
    %swap3A_171 = arith.constant 0 : index
    %swap3A_172 = arith.constant 0 : index
    %swap3A_173 = vector.load %arg4[%swap3A, %swap3A_171, %swap3A_172] : memref<32x128x128xf32, #tpu.memory_space<vmem>>, vector<32x128x128xf32>
    tpu.vector_store %arg4[%swap3A, %swap3A_171, %swap3A_172], %concatenate3A {strides = array<i32>} : memref<32x128x128xf32, #tpu.memory_space<vmem>>, vector<32x128x128xf32>,
    return
  }
  func.func @transform_0(%arg0: i32) -> (i32, i32) {
    %c0_i32 = arith.constant 0 : i32
    %c0_i32_0 = arith.constant 0 : i32
    return %arg0, %c0_i32 : i32, i32
  }
  func.func @transform_1(%arg0: i32) -> (i32, i32) {
    %c0_i32 = arith.constant 0 : i32
    %c0_i32_0 = arith.constant 0 : i32
    return %arg0, %c0_i32 : i32, i32
  }
  func.func @transform_2(%arg0: i32) -> (i32, i32) {
    %c0_i32 = arith.constant 0 : i32
    %c0_i32_0 = arith.constant 0 : i32
    return %arg0, %c0_i32 : i32, i32
  }
  func.func @transform_3(%arg0: i32) -> (i32, i32, i32) {
    %c0_i32 = arith.constant 0 : i32
    %c0_i32_0 = arith.constant 0 : i32
    %c0_i32_1 = arith.constant 0 : i32
    return %arg0, %c0_i32, %c0_i32_0 : i32, i32, i32
  }
}

module attributes {stable_mosaic.version = 14 : i64} {
  func.func @_dense_body(%arg0: i32, %arg1: memref<2x2000x128xf32, #tpu.memory_space<vmem>>, %arg2: memref<2000x128xf32, #tpu.memory_space<vmem>>, %arg3: memref<2000x384xf32, #tpu.memory_space<vmem>>, %arg4: memref<128x128xf32, #tpu.memory_space<vmem>>, %arg5: memref<1x128xf32, #tpu.memory_space<vmem>>, %arg6: memref<128x384xf32, #tpu.memory_space<vmem>>, %arg7: memref<1x384xf32, #tpu.memory_space<vmem>>, %arg8: memref<128x384xf32, #tpu.memory_space<vmem>>, %arg9: memref<128x384xf32, #tpu.memory_space<vmem>>, %arg10: memref<128x384xf32, #tpu.memory_space<vmem>>, %arg11: memref<2000x128xf32, #tpu.memory_space<vmem>>, %arg12: memref<2000x384xf32, #tpu.memory_space<vmem>>) attributes {dimension_semantics = [#tpu.dimension_semantics<arbitrary>], iteration_bounds = array<i64: 5>, scalar_prefetch = 0 : i64, scratch_operands = 0 : i64, tpu.core_type = #tpu.core_type<tc>, window_params = [{transform_indices = @transform_0, window_bounds = array<i64: 2, 2000, 128>}, {transform_indices = @transform_1, window_bounds = array<i64: 2000, 128>}, {transform_indices = @transform_2, window_bounds = array<i64: 2000, 384>}, {pipeline_mode = #tpu.pipeline_mode<synchronous>, transform_indices = @transform_3, window_bounds = array<i64: 128, 128>}, {pipeline_mode = #tpu.pipeline_mode<synchronous>, transform_indices = @transform_4, window_bounds = array<i64: 1, 128>}, {pipeline_mode = #tpu.pipeline_mode<synchronous>, transform_indices = @transform_5, window_bounds = array<i64: 128, 384>}, {pipeline_mode = #tpu.pipeline_mode<synchronous>, transform_indices = @transform_6, window_bounds = array<i64: 1, 384>}, {pipeline_mode = #tpu.pipeline_mode<synchronous>, transform_indices = @transform_7, window_bounds = array<i64: 128, 384>}, {pipeline_mode = #tpu.pipeline_mode<synchronous>, transform_indices = @transform_8, window_bounds = array<i64: 128, 384>}, {pipeline_mode = #tpu.pipeline_mode<synchronous>, transform_indices = @transform_9, window_bounds = array<i64: 128, 384>}, {transform_indices = @transform_10, window_bounds = array<i64: 2000, 128>}, {transform_indices = @transform_11, window_bounds = array<i64: 2000, 384>}]} {
    %get3A = arith.constant 0 : index
    %get3A_0 = arith.constant 0 : index
    %get3A_1 = arith.constant 0 : index
    %get3A_2 = vector.load %arg1[%get3A, %get3A_0, %get3A_1] : memref<2x2000x128xf32, #tpu.memory_space<vmem>>, vector<1x2000x128xf32>
    %get3A_3 = vector.shape_cast %get3A_2 : vector<1x2000x128xf32> to vector<2000x128xf32>
    %get3A_4 = arith.constant 1 : index
    %get3A_5 = arith.constant 0 : index
    %get3A_6 = arith.constant 0 : index
    %get3A_7 = vector.load %arg1[%get3A_4, %get3A_5, %get3A_6] : memref<2x2000x128xf32, #tpu.memory_space<vmem>>, vector<1x2000x128xf32>
    %get3A_8 = vector.shape_cast %get3A_7 : vector<1x2000x128xf32> to vector<2000x128xf32>
    %add3A = arith.addf %get3A_3, %get3A_8 : vector<2000x128xf32>
    %get3A_9 = arith.constant 0 : index
    %get3A_10 = arith.constant 0 : index
    %get3A_11 = vector.load %arg2[%get3A_9, %get3A_10] : memref<2000x128xf32, #tpu.memory_space<vmem>>, vector<2000x128xf32>
    %get3A_12 = arith.constant 0 : index
    %get3A_13 = arith.constant 0 : index
    %get3A_14 = vector.load %arg4[%get3A_12, %get3A_13] : memref<128x128xf32, #tpu.memory_space<vmem>>, vector<128x128xf32>
    %dot_general3A = arith.constant dense<0.000000e+00> : vector<2000x128xf32>
    %dot_general3A_15 = tpu.matmul %get3A_11, %get3A_14, %dot_general3A {dimension_numbers = #tpu.dot_dimension_numbers<[1], [0], [0], [1], [0, 0, 1, 1], [], []>, transpose_lhs_hint = false} : vector<2000x128xf32>, vector<128x128xf32>, vector<2000x128xf32> -> vector<2000x128xf32>
    %get3A_16 = arith.constant 0 : index
    %get3A_17 = arith.constant 0 : index
    %get3A_18 = vector.load %arg5[%get3A_16, %get3A_17] : memref<1x128xf32, #tpu.memory_space<vmem>>, vector<1x128xf32>
    %add3A_19 = vector.broadcast %get3A_18 : vector<1x128xf32> to vector<2000x128xf32>
    %add3A_20 = arith.addf %dot_general3A_15, %add3A_19 : vector<2000x128xf32>
    %logistic3A = arith.negf %add3A_20 : vector<2000x128xf32>
    %logistic3A_21 = math.exp %logistic3A : vector<2000x128xf32>
    %logistic3A_22 = arith.constant 1.000000e+00 : f32
    %logistic3A_23 = vector.broadcast %logistic3A_22 : f32 to vector<2000x128xf32>
    %logistic3A_24 = arith.addf %logistic3A_23, %logistic3A_21 : vector<2000x128xf32>
    %logistic3A_25 = arith.divf %logistic3A_23, %logistic3A_24 : vector<2000x128xf32>
    %mul3A = arith.mulf %add3A_20, %logistic3A_25 : vector<2000x128xf32>
    %get3A_26 = arith.constant 0 : index
    %get3A_27 = arith.constant 0 : index
    %get3A_28 = vector.load %arg6[%get3A_26, %get3A_27] : memref<128x384xf32, #tpu.memory_space<vmem>>, vector<128x384xf32>
    %dot_general3A_29 = arith.constant dense<0.000000e+00> : vector<2000x384xf32>
    %dot_general3A_30 = tpu.matmul %mul3A, %get3A_28, %dot_general3A_29 {dimension_numbers = #tpu.dot_dimension_numbers<[1], [0], [0], [1], [0, 0, 1, 1], [], []>, transpose_lhs_hint = false} : vector<2000x128xf32>, vector<128x384xf32>, vector<2000x384xf32> -> vector<2000x384xf32>
    %get3A_31 = arith.constant 0 : index
    %get3A_32 = arith.constant 0 : index
    %get3A_33 = vector.load %arg7[%get3A_31, %get3A_32] : memref<1x384xf32, #tpu.memory_space<vmem>>, vector<1x384xf32>
    %add3A_34 = vector.broadcast %get3A_33 : vector<1x384xf32> to vector<2000x384xf32>
    %add3A_35 = arith.addf %dot_general3A_30, %add3A_34 : vector<2000x384xf32>
    %get3A_36 = arith.constant 0 : index
    %get3A_37 = arith.constant 0 : index
    %get3A_38 = vector.load %arg8[%get3A_36, %get3A_37] : memref<128x384xf32, #tpu.memory_space<vmem>>, vector<128x384xf32>
    %dot_general3A_39 = arith.constant dense<0.000000e+00> : vector<2000x384xf32>
    %dot_general3A_40 = tpu.matmul %add3A, %get3A_38, %dot_general3A_39 {dimension_numbers = #tpu.dot_dimension_numbers<[1], [0], [0], [1], [0, 0, 1, 1], [], []>, transpose_lhs_hint = false} : vector<2000x128xf32>, vector<128x384xf32>, vector<2000x384xf32> -> vector<2000x384xf32>
    %get3A_41 = arith.constant 0 : index
    %get3A_42 = arith.constant 0 : index
    %get3A_43 = vector.load %arg9[%get3A_41, %get3A_42] : memref<128x384xf32, #tpu.memory_space<vmem>>, vector<128x384xf32>
    %dot_general3A_44 = arith.constant dense<0.000000e+00> : vector<2000x384xf32>
    %dot_general3A_45 = tpu.matmul %add3A, %get3A_43, %dot_general3A_44 {dimension_numbers = #tpu.dot_dimension_numbers<[1], [0], [0], [1], [0, 0, 1, 1], [], []>, transpose_lhs_hint = false} : vector<2000x128xf32>, vector<128x384xf32>, vector<2000x384xf32> -> vector<2000x384xf32>
    %slice3A = vector.extract_strided_slice %add3A_35 {offsets = [0, 0], sizes = [2000, 128], strides = [1, 1]} : vector<2000x384xf32> to vector<2000x128xf32>
    %slice3A_46 = vector.extract_strided_slice %dot_general3A_40 {offsets = [0, 0], sizes = [2000, 128], strides = [1, 1]} : vector<2000x384xf32> to vector<2000x128xf32>
    %mul3A_47 = arith.mulf %slice3A, %slice3A_46 : vector<2000x128xf32>
    %swap3A = arith.constant 0 : index
    %swap3A_48 = arith.constant 0 : index
    %swap3A_49 = vector.load %arg11[%swap3A, %swap3A_48] : memref<2000x128xf32, #tpu.memory_space<vmem>>, vector<2000x128xf32>
    tpu.vector_store %arg11[%swap3A, %swap3A_48], %mul3A_47 {strides = array<i32>} : memref<2000x128xf32, #tpu.memory_space<vmem>>, vector<2000x128xf32>,
    %slice3A_50 = vector.extract_strided_slice %add3A_35 {offsets = [0, 128], sizes = [2000, 128], strides = [1, 1]} : vector<2000x384xf32> to vector<2000x128xf32>
    %slice3A_51 = vector.extract_strided_slice %add3A_35 {offsets = [0, 256], sizes = [2000, 128], strides = [1, 1]} : vector<2000x384xf32> to vector<2000x128xf32>
    %slice3A_52 = vector.extract_strided_slice %dot_general3A_40 {offsets = [0, 256], sizes = [2000, 128], strides = [1, 1]} : vector<2000x384xf32> to vector<2000x128xf32>
    %mul3A_53 = arith.mulf %slice3A_51, %slice3A_52 : vector<2000x128xf32>
    %get3A_54 = arith.constant 0 : index
    %get3A_55 = arith.constant 0 : index
    %get3A_56 = vector.load %arg10[%get3A_54, %get3A_55] : memref<128x384xf32, #tpu.memory_space<vmem>>, vector<128x384xf32>
    %dot_general3A_57 = arith.constant dense<0.000000e+00> : vector<2000x384xf32>
    %dot_general3A_58 = tpu.matmul %slice3A_50, %get3A_56, %dot_general3A_57 {dimension_numbers = #tpu.dot_dimension_numbers<[1], [0], [0], [1], [0, 0, 1, 1], [], []>, transpose_lhs_hint = false} : vector<2000x128xf32>, vector<128x384xf32>, vector<2000x384xf32> -> vector<2000x384xf32>
    %dot_general3A_59 = arith.constant dense<0.000000e+00> : vector<2000x384xf32>
    %dot_general3A_60 = tpu.matmul %mul3A_53, %get3A_56, %dot_general3A_59 {dimension_numbers = #tpu.dot_dimension_numbers<[1], [0], [0], [1], [0, 0, 1, 1], [], []>, transpose_lhs_hint = false} : vector<2000x128xf32>, vector<128x384xf32>, vector<2000x384xf32> -> vector<2000x384xf32>
    %mul3A_61 = arith.mulf %dot_general3A_58, %dot_general3A_45 : vector<2000x384xf32>
    %get3A_62 = arith.constant 0 : index
    %get3A_63 = arith.constant 0 : index
    %get3A_64 = vector.load %arg3[%get3A_62, %get3A_63] : memref<2000x384xf32, #tpu.memory_space<vmem>>, vector<2000x384xf32>
    %mul3A_65 = arith.mulf %dot_general3A_60, %get3A_64 : vector<2000x384xf32>
    %add3A_66 = arith.addf %mul3A_61, %mul3A_65 : vector<2000x384xf32>
    %swap3A_67 = arith.constant 0 : index
    %swap3A_68 = arith.constant 0 : index
    %swap3A_69 = vector.load %arg12[%swap3A_67, %swap3A_68] : memref<2000x384xf32, #tpu.memory_space<vmem>>, vector<2000x384xf32>
    tpu.vector_store %arg12[%swap3A_67, %swap3A_68], %add3A_66 {strides = array<i32>} : memref<2000x384xf32, #tpu.memory_space<vmem>>, vector<2000x384xf32>,
    return
  }
  func.func @transform_0(%arg0: i32) -> (i32, i32, i32) {
    %c0_i32 = arith.constant 0 : i32
    %c0_i32_0 = arith.constant 0 : i32
    %c0_i32_1 = arith.constant 0 : i32
    return %c0_i32, %arg0, %c0_i32_0 : i32, i32, i32
  }
  func.func @transform_1(%arg0: i32) -> (i32, i32) {
    %c0_i32 = arith.constant 0 : i32
    %c0_i32_0 = arith.constant 0 : i32
    return %arg0, %c0_i32 : i32, i32
  }
  func.func @transform_2(%arg0: i32) -> (i32, i32) {
    %c0_i32 = arith.constant 0 : i32
    %c0_i32_0 = arith.constant 0 : i32
    return %arg0, %c0_i32 : i32, i32
  }
  func.func @transform_3(%arg0: i32) -> (i32, i32) {
    %c0_i32 = arith.constant 0 : i32
    %c0_i32_0 = arith.constant 0 : i32
    %c0_i32_1 = arith.constant 0 : i32
    return %c0_i32, %c0_i32_0 : i32, i32
  }
  func.func @transform_4(%arg0: i32) -> (i32, i32) {
    %c0_i32 = arith.constant 0 : i32
    %c0_i32_0 = arith.constant 0 : i32
    %c0_i32_1 = arith.constant 0 : i32
    return %c0_i32, %c0_i32_0 : i32, i32
  }
  func.func @transform_5(%arg0: i32) -> (i32, i32) {
    %c0_i32 = arith.constant 0 : i32
    %c0_i32_0 = arith.constant 0 : i32
    %c0_i32_1 = arith.constant 0 : i32
    return %c0_i32, %c0_i32_0 : i32, i32
  }
  func.func @transform_6(%arg0: i32) -> (i32, i32) {
    %c0_i32 = arith.constant 0 : i32
    %c0_i32_0 = arith.constant 0 : i32
    %c0_i32_1 = arith.constant 0 : i32
    return %c0_i32, %c0_i32_0 : i32, i32
  }
  func.func @transform_7(%arg0: i32) -> (i32, i32) {
    %c0_i32 = arith.constant 0 : i32
    %c0_i32_0 = arith.constant 0 : i32
    %c0_i32_1 = arith.constant 0 : i32
    return %c0_i32, %c0_i32_0 : i32, i32
  }
  func.func @transform_8(%arg0: i32) -> (i32, i32) {
    %c0_i32 = arith.constant 0 : i32
    %c0_i32_0 = arith.constant 0 : i32
    %c0_i32_1 = arith.constant 0 : i32
    return %c0_i32, %c0_i32_0 : i32, i32
  }
  func.func @transform_9(%arg0: i32) -> (i32, i32) {
    %c0_i32 = arith.constant 0 : i32
    %c0_i32_0 = arith.constant 0 : i32
    %c0_i32_1 = arith.constant 0 : i32
    return %c0_i32, %c0_i32_0 : i32, i32
  }
  func.func @transform_10(%arg0: i32) -> (i32, i32) {
    %c0_i32 = arith.constant 0 : i32
    %c0_i32_0 = arith.constant 0 : i32
    return %arg0, %c0_i32 : i32, i32
  }
  func.func @transform_11(%arg0: i32) -> (i32, i32) {
    %c0_i32 = arith.constant 0 : i32
    %c0_i32_0 = arith.constant 0 : i32
    return %arg0, %c0_i32 : i32, i32
  }
}

</mosaic_0001>

<sc_bundles>
// kernel: kernel.5.cloned.1.call-start
scs
__scs_entry_jumppad:
0x0: {  	(pc) =	sbr.rel $0x88, $3  }
0x1: {  	(tag) =	ssettag $0x0;
	lr =	simm.s32 $0x1  }
0x2: {  	[smem:$0x3F97] =	sst lr;
	_ =	strace $0xD0000000  }
0x3: {  	_ = 	snop  }
0x4: {  	_ = 	snop  }
0x5: {  	_ = 	snop  }
0x6: {  	_ = 	snop  }
0x7: {  	_ = 	snop  }
__scs_overlays_trampoline_lowered:
0x8: {  	[smem:$0x3FA6] =	sst s0  }
0x9: {  	[smem:$0x3FA7] =	sst s1  }
0xa: {  	[smem:$0x3FA8] =	sst s2  }
0xb: {  	[smem:$0x3FA9] =	sst s3  }
0xc: {  	[smem:$0x3FAA] =	sst s4  }
0xd: {  	[smem:$0x3FAB] =	sst s5  }
0xe: {  	[smem:$0x3FAC] =	sst s6  }
0xf: {  	[smem:$0x3FAD] =	sst s7  }
0x10: {  	[smem:$0x3FAE] =	sst s8  }
0x11: {  	[smem:$0x3FAF] =	sst s9;
	s0 =	simm.s32 @!p0 $0x0  }
0x12: {  	s1 =	sld [smem:$0x3F95];
	s0 =	simm.s32 @p0 $0x1  }
0x13: {  	[smem:$0x3FB0] =	sst s0;
	s0 =	simm.s32 @!p1 $0x0  }
0x14: {  	s2 =	sld [smem:$0x3F94];
	s0 =	simm.s32 @p1 $0x1  }
0x15: {  	[smem:$0x3FB1] =	sst s0;
	s0 =	simm.s32 @!p2 $0x0  }
0x16: {  	s3 =	sld [smem:$0x3FDB];
	s0 =	simm.s32 @p2 $0x1  }
0x17: {  	s4 =	simm.s32 $0x1BF5;
	[smem:$0x3FB3] =	sst s0  }
0x18: {  	s0 =	sld [smem:$0x3F96];
	_ =	swait.ge [sflag:s4], $0x0  }
0x19: {  	s7 =	sld [smem:$0x3F97]  }
0x1a: {  	s8 =	sadd.s32 $0xFFFFE003, lr  }
0x1b: {  	s9 =	sadd.s32 $0xFFFFFEF7, lr;
	s5 =	simm.s32 $0xFFFFFFFF;
	p2 =	slt.u32 s8, $0xFFFFF086  }
0x1c: {  	p1 =	slt.u32 s9, $0xF7A;
	s5 =	simm.s32 @!p2 $0x0  }
0x1d: {  	s5 =	simm.s32 @p1 $0x1;
	p0 =	seq.s32 s7, s2  }
0x1e: {  	s7 =	smul.u32 @!p0 $0xF7A, s2;
	p2 =	seq.s32 @!p0 s5, $0x0  }
0x1f: {  	s9 =	smul.u32 $0xF7A, s1;
	s8 =	simm.s32 @!p0 $0x1BF5;
	p2 =	por !p2, p0  }
0x20: {  	[sflag:s8] =	ssyncset.s32 @!p0 $0xFFFFF086;
	s6 =	sadd.s32 @!p0 s3, s7;
	s7 =	simm.s32 @!p0 $0x108  }
0x21: {  	s3 =	sadd.s32 s3, s9;
	s6 =	sadd.s32 @!p0 $0x88, s6;
	s7 =	simm.s32 @p2 $0x1082  }
0x22: {  	[simem:s7], [sflag:s8] =	dma.local @!p0 [hbm:s6], $0xF7A  }
0x23: {  	s9 =	sor.u32 $0xD0000000, s2;
	s6 =	simm.s32 $0x108;
	_ =	swait.ge @!p0 [sflag:s8], $0x0  }
0x24: {  	s3 =	sadd.s32 $0x88, s3;
	s6 =	simm.s32 @!p1 $0x1082;
	[sflag:s4] =	ssyncset.s32 $0xFFFFF086  }
0x25: {  	[simem:s6], [sflag:s4] =	dma.local [hbm:s3], $0xF7A  }
0x26: {  	[smem:$0x3F97] =	sst s1;
	(tag) =	ssettag s2;
	_ =	strace s9  }
0x27: {  	s1 =	sld [smem:$0x3FA7]  }
0x28: {  	s2 =	sld [smem:$0x3FA8]  }
0x29: {  	s4 =	sld [smem:$0x3FAA]  }
0x2a: {  	p0 =	seq.s32 s5, $0x0;
	s5 =	sld [smem:$0x3FAB]  }
0x2b: {  	s6 =	sld [smem:$0x3FAC]  }
0x2c: {  	s7 =	sld [smem:$0x3FAD]  }
0x2d: {  	s3 =	simm.s32 $0x108;
	s8 =	sld [smem:$0x3FAE]  }
0x2e: {  	s3 =	simm.s32 @!p0 $0x1082;
	s9 =	sld [smem:$0x3FAF]  }
0x2f: {  	lr =	sadd.s32 s0, s3;
	s0 =	sld [smem:$0x3FA6]  }
0x30: {  	s3 =	sld [smem:$0x3FA9]  }
0x31: {  	[smem:$0x3FB2] =	sst s10  }
0x32: {  	s10 =	sld [smem:$0x3FB0];
	_ =	sdelay $0x3  }
0x33: {  	p0 =	seq.s32 s10, $0x1;
	s10 =	sld [smem:$0x3FB2];
	_ =	sdelay $0x3  }
0x34: {  	[smem:$0x3FB2] =	sst s10  }
0x35: {  	s10 =	sld [smem:$0x3FB1];
	_ =	sdelay $0x3  }
0x36: {  	p1 =	seq.s32 s10, $0x1;
	s10 =	sld [smem:$0x3FB2];
	_ =	sdelay $0x3  }
0x37: {  	[smem:$0x3FB2] =	sst s10  }
0x38: {  	s10 =	sld [smem:$0x3FB3]  }
0x39: {  	_ = 	snop;
	(pc) =	sbr.ind lr, $3  }
0x3a: {  	_ = 	snop  }
0x3b: {  	_ = 	snop  }
0x3c: {  	p2 =	seq.s32 s10, $0x1;
	s10 =	sld [smem:$0x3FB2]  }
0x3d: {  	_ =	shalt  }
0x3e: {  	_ =	shalt  }
0x3f: {  	_ =	shalt  }
0x40: {  	_ =	shalt  }
0x41: {  	_ =	shalt  }
0x42: {  	_ =	shalt  }
0x43: {  	_ =	shalt  }
0x44: {  	_ =	shalt  }
0x45: {  	_ =	shalt  }
0x46: {  	_ =	shalt  }
0x47: {  	_ =	shalt  }
0x48: {  	_ =	shalt  }
0x49: {  	_ =	shalt  }
0x4a: {  	_ =	shalt  }
0x4b: {  	_ =	shalt  }
0x4c: {  	_ =	shalt  }
0x4d: {  	_ =	shalt  }
0x4e: {  	_ =	shalt  }
0x4f: {  	_ =	shalt  }
0x50: {  	_ =	shalt  }
0x51: {  	_ =	shalt  }
0x52: {  	_ =	shalt  }
0x53: {  	_ =	shalt  }
0x54: {  	_ =	shalt  }
0x55: {  	_ =	shalt  }
0x56: {  	_ =	shalt  }
0x57: {  	_ =	shalt  }
0x58: {  	_ =	shalt  }
0x59: {  	_ =	shalt  }
0x5a: {  	_ =	shalt  }
0x5b: {  	_ =	shalt  }
0x5c: {  	_ =	shalt  }
0x5d: {  	_ =	shalt  }
0x5e: {  	_ =	shalt  }
0x5f: {  	_ =	shalt  }
0x60: {  	_ =	shalt  }
0x61: {  	_ =	shalt  }
0x62: {  	_ =	shalt  }
0x63: {  	_ =	shalt  }
0x64: {  	_ =	shalt  }
0x65: {  	_ =	shalt  }
0x66: {  	_ =	shalt  }
0x67: {  	_ =	shalt  }
0x68: {  	_ =	shalt  }
0x69: {  	_ =	shalt  }
0x6a: {  	_ =	shalt  }
0x6b: {  	_ =	shalt  }
0x6c: {  	_ =	shalt  }
0x6d: {  	_ =	shalt  }
0x6e: {  	_ =	shalt  }
0x6f: {  	_ =	shalt  }
0x70: {  	_ =	shalt  }
0x71: {  	_ =	shalt  }
0x72: {  	_ =	shalt  }
0x73: {  	_ =	shalt  }
0x74: {  	_ =	shalt  }
0x75: {  	_ =	shalt  }
0x76: {  	_ =	shalt  }
0x77: {  	_ =	shalt  }
0x78: {  	_ =	shalt  }
0x79: {  	_ =	shalt  }
0x7a: {  	_ =	shalt  }
0x7b: {  	_ =	shalt  }
0x7c: {  	_ =	shalt  }
0x7d: {  	_ =	shalt  }
0x7e: {  	_ =	shalt  }
0x7f: {  	_ =	shalt  }
0x80: {  	_ =	shalt  }
0x81: {  	_ =	shalt  }
0x82: {  	_ =	shalt  }
0x83: {  	_ =	shalt  }
0x84: {  	_ =	shalt  }
0x85: {  	_ =	shalt  }
0x86: {  	_ =	shalt  }
0x87: {  	_ =	shalt  }
.Lfunc_end0:
.L_simem_size_0:
called_computation_lowered:
.L_overlay_start_0:
0x88: {  	s2 =	sld [smem:$0x3FD9]  }
0x89: {  	s3 =	sld [smem:$0x3FFE];
	_ =	sdelay $0x1  }
0x8a: {  	s1 =	srdreg.scid  }
0x8b: {  	s0 =	sand.u32 $0x1, s1  }
0x8c: {  	s14 =	sshll.u32 s0, $0xA;
	s2 =	sadd.s32 s3, s2  }
0x8d: {  	s2 =	sadd.s32 s2, s14  }
0x8e: {  	[smem:$0x3FBE] =	sst s2  }
0x8f: {  	_ = 	snop  }
0x90: {  	s2 =	sld [smem:$0x3FD0];
	_ =	sdelay $0x2  }
0x91: {  	s15 =	simm.s32 $0xA;
	s4 =	simm.s32 $0x10  }
0x92: {  	[smem:s4], [sflag:s15] =	dma.local [hbm:s2], $0x1  }
0x93: {  	_ =	swait.eq [sflag:s15], $0x1  }
0x94: {  	[sflag:s15] =	ssyncset.done $0x0  }
0x95: {  	[sflag:s15] =	ssyncadd.s32 $0xFFFFFFFF  }
0x96: {  	s16 =	sld [smem:$0x11];
	(tm) =	ssettm $0x1  }
0x97: {  	s17 =	sld [smem:$0x3FFB];
	_ =	sdelay $0x3  }
0x98: {  	_ =	strace s17  }
0x99: {  	s3 =	sld [smem:$0x3FFC];
	_ =	sdelay $0x3  }
0x9a: {  	_ =	strace s3  }
0x9b: {  	s3 =	sld [smem:$0x3FFD];
	_ =	sdelay $0x3  }
0x9c: {  	_ =	strace s3  }
0x9d: {  	_ =	strace $0x8FFFFFFF  }
0x9e: {  	s18 =	sld [smem:$0x3FDB];
	_ =	sdelay $0x1  }
0x9f: {  	s19 =	simm.s32 $_scs_section_size  }
0xa0: {  	s5 =	simm.s32 $_size__tile_overlayer_lowered;
	s6 =	simm.s32 $_tile_overlayer_lowered  }
0xa1: {  	s22 =	simm.s32 $0x1BFF;
	s21 =	sshll.u32 s6, $0x1;
	s3 =	sadd.s32 s19, s18  }
0xa2: {  	s7 =	simm.s32 $0x0;
	s20 =	sshll.u32 s5, $0x1;
	s5 =	sadd.s32 s21, s3  }
0xa3: {  	[timem:s7], [sflag:s22] =	dma.local [hbm:s5], s20  }
0xa4: {  	_ =	swait.ge [sflag:s22], s20  }
0xa5: {  	s4 =	ssub.s32 $0x0, s20;
	[sflag:s22] =	ssyncset.done $0x0  }
0xa6: {  	[sflag:s22] =	ssyncadd.s32 s4;
	_ =	sdelay $0x1  }
0xa7: {  	s23 =	simm.s32 $0x1B8B  }
0xa8: {  	_ =	swait.ge [sflag:s23], $0x1  }
0xa9: {  	[sflag:s23] =	ssyncset.done $0x0  }
0xaa: {  	s25 =	simm.s32 $0x1B8E;
	s24 =	sld [smem:$0x3FFE];
	[sflag:s23] =	ssyncadd.s32 $0xFFFFFFFF  }
0xab: {  	s26 =	simm.s32 $execute0_lowered;
	[smem:$0x3FD2] =	sst s25  }
0xac: {  	s5 =	sshll.u32 s26, $0x1;
	_ =	strace $0x80000046;
	[dreg:$0x1] =	wrdreg $0xFFFFFFFF  }
0xad: {  	s28 =	simm.s32 $_size_execute0_lowered;
	s3 =	sadd.s32 s3, s5;
	[dreg:$0x0] =	wrdreg $0x0  }
0xae: {  	s5 =	sshll.u32 s28, $0x1;
	[dreg:$0x2] =	wrdreg s3  }
0xaf: {  	[dreg:$0x3] =	wrdreg s5  }
0xb0: {  	[dreg:$0x4] =	wrdreg $0xC0  }
0xb1: {  	_ =	task [dreg:s7], $0x5FFFF  }
0xb2: {  	[dreg:$0x1] =	wrdreg $0xFFFFFFFF  }
0xb3: {  	[dreg:$0x0] =	wrdreg $0x60  }
0xb4: {  	[dreg:$0x2] =	wrdreg s24  }
0xb5: {  	[dreg:$0x3] =	wrdreg s16  }
0xb6: {  	[dreg:$0x4] =	wrdreg $0xA8000  }
0xb7: {  	[dreg:$0x5] =	wrdreg $0x9  }
0xb8: {  	_ =	task.clear_ibuf [dreg:s7], $0x6FFFF;
	_ =	strace $0x90000046  }
0xb9: {  	s29 =	simm.s32 $0x9;
	_ =	strace $0x80000048  }
0xba: {  	_ =	swait.ge [sflag:s29], $0x1  }
0xbb: {  	[sflag:s29] =	ssyncadd.s32 $0xFFFFFFFF  }
0xbc: {  	_ =	strace $0x90000048  }
0xbd: {  	_ =	sfence  }
0xbe: {  	s30 =	sld [smem:$0x0];
	_ =	sdelay $0x2  }
0xbf: {  	s31 =	sshll.u32 s1, $0xD;
	s1 =	sshrl.u32 s1, $0x2  }
0xc0: {  	s3 =	sand.u32 $0x4000, s31;
	s1 =	sadd.s32 s1, s30  }
0xc1: {  	s0 =	sor.u32 s3, s0;
	s1 =	sshll.u32 s1, $0x11  }
0xc2: {  	s0 =	sor.u32 s1, s0  }
0xc3: {  	s0 =	sadd.s32 $0x8F2B, s0  }
0xc4: {  	[sflag:s0] =	ssyncadd.remote.s32 $0x1  }
0xc5: {  	_ =	sfence.sel $0xFFFF  }
0xc6: {  	[dreg:$0x0] =	wrdreg $0xFFFFFFFF;
	(pc) =	sbr.abs _section_cstart, $3  }
0xc7: {  	[dreg:$0x1] =	wrdreg $0xFFFFFFFF  }
0xc8: {  	_ =	task.clear_ibuf [dreg:s7], $0x2FFFF;
	_ =	strace $0x9FFFFFFF  }
0xc9: {  	(tm) =	ssettm $0x7FFFFFFF  }
tec
execute0_lowered:
.L_overlay_start_1:
0x0: {  	(tag) =	ssettag $0x1  }
0x1: {  	s0 =	rddreg [dreg:$0x0]  }
0x2: {  	s2 =	rddreg [dreg:$0x1]  }
0x3: {  	s1 =	rddreg [dreg:$0x2];
	s3 =	simm.s32 $0x0;
	s4 =	srdreg.scid  }
0x4: {  	s9 =	stileid.u32;
	s28 =	simm.s32 $0x1;
	s29 =	simm.s32 $0x80  }
0x5: {  	s30 =	simm.s32 $0x2;
	s31 =	simm.s32 $0x0;
	s21 =	smul.u32 $0x50000, s9  }
0x6: {  	[smem:$0x7FF] =	sst s3;
	s4 =	sand.u32 $0x1, s4;
	s18 =	smul.u32 $0x280, s9  }
0x7: {  	s5 =	sshll.u32 s9, $0x1;
	s22 =	sadd.s32 $0x1E00, s0;
	s17 =	smul.u32 $0x2800, s9  }
0x8: {  	s20 =	sadd.s32 $0x501E00, s0;
	s23 =	smul.u32 $0x28000, s4;
	s5 =	sor.u32 s4, s5  }
0x9: {  	_ =	strace $0x80000047;
	s6 =	ssub.s32 $0x2, s4;
	s5 =	smul.u32 $0x2800, s5  }
0xa: {  	s7 =	sshrl.u32 s6, $0x1;
	s16 =	sshrl.u32 s21, $0x2;
	[dreg:$0x5] =	wrdreg s17  }
0xb: {  	s24 =	sadd.s32 s20, s17;
	s25 =	sadd.s32 $0x80, s18;
	s26 =	sadd.s32 $0x100, s18  }
0xc: {  	s0 =	sadd.s32 s23, s0;
	s8 =	ssub.s32 s6, s7;
	s7 =	sadd.s32 s16, s1  }
0xd: {  	[dreg:$0x7] =	wrdreg s24;
	s10 =	sshll.u32 s25, $0x4;
	s11 =	sshll.u32 s26, $0x4  }
0xe: {  	s5 =	sshrl.u32 s5, $0x3;
	s6 =	sadd.s32 $0x529E00, s0;
	s19 =	smax.u32 s8, $0x1  }
0xf: {  	s0 =	sshll.u32 s25, $0x7;
	s12 =	sadd.s32 s20, s10;
	s14 =	sadd.s32 s20, s11  }
0x10: {  	s8 =	smul.u32 $0x140000, s4;
	s25 =	sadd.s32 s21, s22;
	s2 =	sadd.s32 s2, s5  }
0x11: {  	[dreg:$0x6] =	wrdreg s19;
	s13 =	sadd.s32 s0, s1;
	s5 =	sadd.s32 $0x180, s18  }
0x12: {  	s19 =	smul.u32 $0x280000, s9;
	s9 =	sadd.s32 $0x200, s18;
	[dreg:$0x4] =	wrdreg s2  }
0x13: {  	s2 =	sshll.u32 s26, $0x7;
	s16 =	sshll.u32 s5, $0x4;
	s24 =	sshll.u32 s9, $0x7  }
0x14: {  	s26 =	sadd.s32 s23, s25;
	s25 =	simm.s32 $0x3;
	s15 =	sadd.s32 s2, s1  }
0x15: {  	s17 =	sadd.s32 s20, s16;
	s2 =	sshll.u32 s5, $0x7;
	s0 =	sadd.s32 s8, s19  }
0x16: {  	s19 =	sshll.u32 s9, $0x4;
	s21 =	sadd.s32 s24, s1;
	s23 =	sadd.s32 $0x800, s26  }
0x17: {  	s24 =	simm.s32 $0x2800;
	s26 =	simm.s32 $0x6800;
	s0 =	sshrl.u32 s0, $0x3  }
0x18: {  	s18 =	sadd.s32 s2, s1;
	s20 =	sadd.s32 s20, s19;
	s22 =	sadd.s32 s0, s22  }
.LBB2_1:
0x19: {  	s0 =	rddreg [dreg:$0x7]  }
0x1a: {  	[tilespmem:s24], [sflag:$0x3] =	stream.linear.gather [hbm4b:s0+s3], $0x4000, $0x38;
	[tilespmem:$0x1E800] =	vst v63  }
0x1b: {  	_ =	swait.ge [sflag:s25], $0x4000  }
0x1c: {  	[sflag:s25] =	ssyncset.done $0x0  }
0x1d: {  	[sflag:s25] =	ssyncadd.s32 $0xFFFFC000  }
0x1e: {  	[spmem:s7] =	stream.linear.scatter [tilespmem:s24], [sflag:$0x3], $0x4000, $0x38;
	[tilespmem:$0x1E800] =	vst v63  }
0x1f: {  	_ =	swait.ge [sflag:s25], $0x4000  }
0x20: {  	[sflag:s25] =	ssyncset.done $0x0  }
0x21: {  	[sflag:s25] =	ssyncadd.s32 $0xFFFFC000  }
0x22: {  	[tilespmem:s24], [sflag:$0x3] =	stream.linear.gather [hbm4b:s12+s3], $0x4000, $0x38;
	[tilespmem:$0x1E800] =	vst v63  }
0x23: {  	_ =	swait.ge [sflag:s25], $0x4000  }
0x24: {  	[sflag:s25] =	ssyncset.done $0x0  }
0x25: {  	[sflag:s25] =	ssyncadd.s32 $0xFFFFC000  }
0x26: {  	[spmem:s13] =	stream.linear.scatter [tilespmem:s24], [sflag:$0x3], $0x4000, $0x38;
	[tilespmem:$0x1E800] =	vst v63  }
0x27: {  	_ =	swait.ge [sflag:s25], $0x4000  }
0x28: {  	[sflag:s25] =	ssyncset.done $0x0  }
0x29: {  	[sflag:s25] =	ssyncadd.s32 $0xFFFFC000  }
0x2a: {  	[tilespmem:s24], [sflag:$0x3] =	stream.linear.gather [hbm4b:s14+s3], $0x4000, $0x38;
	[tilespmem:$0x1E800] =	vst v63  }
0x2b: {  	_ =	swait.ge [sflag:s25], $0x4000  }
0x2c: {  	[sflag:s25] =	ssyncset.done $0x0  }
0x2d: {  	[sflag:s25] =	ssyncadd.s32 $0xFFFFC000  }
0x2e: {  	[spmem:s15] =	stream.linear.scatter [tilespmem:s24], [sflag:$0x3], $0x4000, $0x38;
	[tilespmem:$0x1E800] =	vst v63  }
0x2f: {  	_ =	swait.ge [sflag:s25], $0x4000  }
0x30: {  	[sflag:s25] =	ssyncset.done $0x0  }
0x31: {  	[sflag:s25] =	ssyncadd.s32 $0xFFFFC000  }
0x32: {  	[tilespmem:s24], [sflag:$0x3] =	stream.linear.gather [hbm4b:s17+s3], $0x4000, $0x38;
	[tilespmem:$0x1E800] =	vst v63  }
0x33: {  	_ =	swait.ge [sflag:s25], $0x4000  }
0x34: {  	[sflag:s25] =	ssyncset.done $0x0  }
0x35: {  	[sflag:s25] =	ssyncadd.s32 $0xFFFFC000  }
0x36: {  	[spmem:s18] =	stream.linear.scatter [tilespmem:s24], [sflag:$0x3], $0x4000, $0x38;
	[tilespmem:$0x1E800] =	vst v63  }
0x37: {  	_ =	swait.ge [sflag:s25], $0x4000  }
0x38: {  	[sflag:s25] =	ssyncset.done $0x0  }
0x39: {  	[sflag:s25] =	ssyncadd.s32 $0xFFFFC000  }
0x3a: {  	[tilespmem:s24], [sflag:$0x3] =	stream.linear.gather [hbm4b:s20+s3], $0x4000, $0x38;
	[tilespmem:$0x1E800] =	vst v63  }
0x3b: {  	_ =	swait.ge [sflag:s25], $0x4000  }
0x3c: {  	[sflag:s25] =	ssyncset.done $0x0  }
0x3d: {  	[sflag:s25] =	ssyncadd.s32 $0xFFFFC000  }
0x3e: {  	[spmem:s21] =	stream.linear.scatter [tilespmem:s24], [sflag:$0x3], $0x4000, $0x38;
	[tilespmem:$0x1E800] =	vst v63  }
0x3f: {  	_ =	swait.ge [sflag:s25], $0x4000  }
0x40: {  	[sflag:s25] =	ssyncset.done $0x0  }
0x41: {  	[sflag:s25] =	ssyncadd.s32 $0xFFFFC000  }
0x42: {  	[bflag:$0x0] =	sbarrier.arrive $0xFFFF  }
0x43: {  	s4 =	rddreg [dreg:$0x4]  }
0x44: {  	[tilespmem:s3], [sflag:$0x3] =	stream.linear.gather [hbm4b:s4+s3], $0x2800, $0x38;
	[tilespmem:$0x1E800] =	vst v63  }
0x45: {  	_ =	swait.ge [sflag:s25], $0x2800  }
0x46: {  	[sflag:s25] =	ssyncset.done $0x0  }
0x47: {  	s5 =	sadd.s32 $0x0, s22;
	[sflag:s25] =	ssyncadd.s32 $0xFFFFD800  }
0x48: {  	[tilespmem:s24], [sflag:$0x1] =	stream.linear.gather [hbm4b:s5+s3], $0x4000, $0x38;
	[tilespmem:$0x1E800] =	vst v63  }
0x49: {  	s8 =	sadd.s32 $0x0, s23  }
0x4a: {  	[tilespmem:s26], [sflag:$0x2] =	stream.linear.gather [hbm4b:s8+s3], $0x4000, $0x38;
	[tilespmem:$0x1E800] =	vst v63  }
0x4b: {  	_ =	swait.ge [sflag:s28], $0x4000  }
0x4c: {  	[sflag:s28] =	ssyncset.done $0x0  }
0x4d: {  	[sflag:s28] =	ssyncadd.s32 $0xFFFFC000  }
0x4e: {  	[spmem:s1] =	stream.indirect.scatter.add.f32 [tilespmem:s24], [sflag:$0x3], $0x80, s3, s29, $0xb8;
	[tilespmem:$0x1E800] =	vst v63  }
0x4f: {  	_ =	swait.ge [sflag:s25], $0x4000  }
0x50: {  	[sflag:s25] =	ssyncset.done $0x0  }
0x51: {  	[sflag:s25] =	ssyncadd.s32 $0xFFFFC000  }
0x52: {  	_ =	swait.ge [sflag:s30], $0x4000  }
0x53: {  	[sflag:s30] =	ssyncset.done $0x0  }
0x54: {  	s9 =	simm.s32 $0x80;
	[sflag:s30] =	ssyncadd.s32 $0xFFFFC000  }
0x55: {  	[spmem:s1] =	stream.indirect.scatter.add.f32 [tilespmem:s26], [sflag:$0x3], $0x80, s9, s29, $0xb8;
	[tilespmem:$0x1E800] =	vst v63  }
0x56: {  	s2 =	simm.s32 $0x1000;
	_ =	swait.ge [sflag:s25], $0x4000  }
0x57: {  	s0 =	simm.s32 $0x100;
	s4 =	simm.s32 $0x2000;
	[sflag:s25] =	ssyncset.done $0x0  }
.LBB2_2:
0x58: {  	s8 =	sadd.s32 s2, s22  }
0x59: {  	[sflag:s25] =	ssyncadd.s32 $0xFFFFC000;
	s9 =	smov.u32 s4;
	s5 =	sadd.s32 $0x1000, s4  }
0x5a: {  	[tilespmem:s24], [sflag:$0x1] =	stream.linear.gather [hbm4b:s8+s3], $0x4000, $0x38;
	[tilespmem:$0x1E800] =	vst v63  }
0x5b: {  	p0 =	sne.s32 s4, $0x27000;
	s4 =	sadd.s32 s2, s23;
	s2 =	smov.u32 s9  }
0x5c: {  	[tilespmem:s26], [sflag:$0x2] =	stream.linear.gather [hbm4b:s4+s3], $0x4000, $0x38;
	[tilespmem:$0x1E800] =	vst v63  }
0x5d: {  	_ =	swait.ge [sflag:s28], $0x4000  }
0x5e: {  	[sflag:s28] =	ssyncset.done $0x0  }
0x5f: {  	[sflag:s28] =	ssyncadd.s32 $0xFFFFC000  }
0x60: {  	[spmem:s1] =	stream.indirect.scatter.add.f32 [tilespmem:s24], [sflag:$0x3], $0x80, s0, s29, $0xb8;
	[tilespmem:$0x1E800] =	vst v63  }
0x61: {  	_ =	swait.ge [sflag:s25], $0x4000  }
0x62: {  	[sflag:s25] =	ssyncset.done $0x0  }
0x63: {  	[sflag:s25] =	ssyncadd.s32 $0xFFFFC000  }
0x64: {  	_ =	swait.ge [sflag:s30], $0x4000  }
.Ltmp0:
0x65: {  	[sflag:s30] =	ssyncset.done $0x0;
	(pc) =	sbr.rel @p0 .LBB2_2-.Ltmp0, $4  }
0x66: {  	s4 =	sadd.s32 $0x80, s0;
	[sflag:s30] =	ssyncadd.s32 $0xFFFFC000  }
0x67: {  	[spmem:s1] =	stream.indirect.scatter.add.f32 [tilespmem:s26], [sflag:$0x3], $0x80, s4, s29, $0xb8;
	[tilespmem:$0x1E800] =	vst v63  }
0x68: {  	_ =	swait.ge [sflag:s25], $0x4000  }
0x69: {  	s0 =	sadd.s32 $0x100, s0;
	s4 =	smov.u32 s5;
	[sflag:s25] =	ssyncset.done $0x0  }
0x6a: {  	s4 =	sadd.s32 s2, s22;
	[sflag:s25] =	ssyncadd.s32 $0xFFFFC000  }
0x6b: {  	[tilespmem:s24], [sflag:$0x1] =	stream.linear.gather [hbm4b:s4+s3], $0x4000, $0x38;
	[tilespmem:$0x1E800] =	vst v63  }
0x6c: {  	s5 =	sadd.s32 s2, s23  }
0x6d: {  	[tilespmem:s26], [sflag:$0x2] =	stream.linear.gather [hbm4b:s5+s3], $0x4000, $0x38;
	[tilespmem:$0x1E800] =	vst v63  }
0x6e: {  	_ =	swait.ge [sflag:s28], $0x4000  }
0x6f: {  	[sflag:s28] =	ssyncset.done $0x0  }
0x70: {  	[sflag:s28] =	ssyncadd.s32 $0xFFFFC000  }
0x71: {  	[spmem:s1] =	stream.indirect.scatter.add.f32 [tilespmem:s24], [sflag:$0x3], $0x80, s0, s29, $0xb8;
	[tilespmem:$0x1E800] =	vst v63  }
0x72: {  	_ =	swait.ge [sflag:s25], $0x4000  }
0x73: {  	[sflag:s25] =	ssyncset.done $0x0  }
0x74: {  	[sflag:s25] =	ssyncadd.s32 $0xFFFFC000  }
0x75: {  	_ =	swait.ge [sflag:s30], $0x4000  }
0x76: {  	[sflag:s30] =	ssyncset.done $0x0  }
0x77: {  	s8 =	sadd.s32 $0x80, s0;
	[sflag:s30] =	ssyncadd.s32 $0xFFFFC000  }
0x78: {  	[spmem:s1] =	stream.indirect.scatter.add.f32 [tilespmem:s26], [sflag:$0x3], $0x80, s8, s29, $0xb8;
	[tilespmem:$0x1E800] =	vst v63  }
0x79: {  	_ =	swait.ge [sflag:s25], $0x4000  }
0x7a: {  	[sflag:s25] =	ssyncset.done $0x0  }
0x7b: {  	[sflag:s25] =	ssyncadd.s32 $0xFFFFC000  }
0x7c: {  	[bflag:$0x0] =	sbarrier.arrive $0xFFFF  }
0x7d: {  	[tilespmem:s24], [sflag:$0x3] =	stream.linear.gather [spmem:s7], $0x4000, $0x38;
	[tilespmem:$0x1E800] =	vst v63  }
0x7e: {  	_ =	swait.ge [sflag:s25], $0x4000  }
0x7f: {  	[sflag:s25] =	ssyncset.done $0x0;
	s9 =	rddreg [dreg:$0x5]  }
0x80: {  	[sflag:s25] =	ssyncadd.s32 $0xFFFFC000;
	s0 =	sadd.s32 s9, s6  }
0x81: {  	[hbm4b:s0+s3] =	stream.linear.scatter [tilespmem:s24], [sflag:$0x3], $0x4000, $0x38;
	[tilespmem:$0x1E800] =	vst v63  }
0x82: {  	_ =	swait.ge [sflag:s25], $0x4000  }
0x83: {  	[sflag:s25] =	ssyncset.done $0x0  }
0x84: {  	[sflag:s25] =	ssyncadd.s32 $0xFFFFC000  }
0x85: {  	[tilespmem:s24], [sflag:$0x3] =	stream.linear.gather [spmem:s13], $0x4000, $0x38;
	[tilespmem:$0x1E800] =	vst v63  }
0x86: {  	_ =	swait.ge [sflag:s25], $0x4000  }
0x87: {  	[sflag:s25] =	ssyncset.done $0x0  }
0x88: {  	s2 =	sadd.s32 s10, s6;
	[sflag:s25] =	ssyncadd.s32 $0xFFFFC000  }
0x89: {  	[hbm4b:s2+s3] =	stream.linear.scatter [tilespmem:s24], [sflag:$0x3], $0x4000, $0x38;
	[tilespmem:$0x1E800] =	vst v63  }
0x8a: {  	_ =	swait.ge [sflag:s25], $0x4000  }
0x8b: {  	[sflag:s25] =	ssyncset.done $0x0  }
0x8c: {  	[sflag:s25] =	ssyncadd.s32 $0xFFFFC000  }
0x8d: {  	[tilespmem:s24], [sflag:$0x3] =	stream.linear.gather [spmem:s15], $0x4000, $0x38;
	[tilespmem:$0x1E800] =	vst v63  }
0x8e: {  	_ =	swait.ge [sflag:s25], $0x4000  }
0x8f: {  	[sflag:s25] =	ssyncset.done $0x0  }
0x90: {  	s4 =	sadd.s32 s11, s6;
	[sflag:s25] =	ssyncadd.s32 $0xFFFFC000  }
0x91: {  	[hbm4b:s4+s3] =	stream.linear.scatter [tilespmem:s24], [sflag:$0x3], $0x4000, $0x38;
	[tilespmem:$0x1E800] =	vst v63  }
0x92: {  	_ =	swait.ge [sflag:s25], $0x4000  }
0x93: {  	[sflag:s25] =	ssyncset.done $0x0  }
0x94: {  	[sflag:s25] =	ssyncadd.s32 $0xFFFFC000  }
0x95: {  	[tilespmem:s24], [sflag:$0x3] =	stream.linear.gather [spmem:s18], $0x4000, $0x38;
	[tilespmem:$0x1E800] =	vst v63  }
0x96: {  	_ =	swait.ge [sflag:s25], $0x4000  }
0x97: {  	[sflag:s25] =	ssyncset.done $0x0  }
0x98: {  	s5 =	sadd.s32 s16, s6;
	[sflag:s25] =	ssyncadd.s32 $0xFFFFC000  }
0x99: {  	[hbm4b:s5+s3] =	stream.linear.scatter [tilespmem:s24], [sflag:$0x3], $0x4000, $0x38;
	[tilespmem:$0x1E800] =	vst v63  }
0x9a: {  	_ =	swait.ge [sflag:s25], $0x4000  }
0x9b: {  	[sflag:s25] =	ssyncset.done $0x0  }
0x9c: {  	[sflag:s25] =	ssyncadd.s32 $0xFFFFC000  }
0x9d: {  	[tilespmem:s24], [sflag:$0x3] =	stream.linear.gather [spmem:s21], $0x4000, $0x38;
	[tilespmem:$0x1E800] =	vst v63  }
0x9e: {  	_ =	swait.ge [sflag:s25], $0x4000  }
0x9f: {  	[sflag:s25] =	ssyncset.done $0x0  }
0xa0: {  	s8 =	sadd.s32 s19, s6;
	[sflag:s25] =	ssyncadd.s32 $0xFFFFC000  }
0xa1: {  	[hbm4b:s8+s3] =	stream.linear.scatter [tilespmem:s24], [sflag:$0x3], $0x4000, $0x38;
	[tilespmem:$0x1E800] =	vst v63  }
0xa2: {  	_ =	swait.ge [sflag:s25], $0x4000  }
0xa3: {  	s31 =	sadd.s32 $0x1, s31;
	s9 =	rddreg [dreg:$0x6]  }
0xa4: {  	p0 =	sne.s32 s31, s9  }
.Ltmp1:
0xa5: {  	_ = 	snop;
	(pc) =	sbr.rel @p0 .LBB2_1-.Ltmp1, $3  }
0xa6: {  	_ =	sdelay $0x1  }
0xa7: {  	[sflag:s25] =	ssyncset.done $0x0  }
0xa8: {  	[sflag:s25] =	ssyncadd.s32 $0xFFFFC000  }
0xa9: {  	_ =	sfence.sel $0x180000  }
0xaa: {  	[bflag:$0x0] =	sbarrier.arrive $0xFFFF  }
0xab: {  	_ =	strace $0x90000047  }
0xac: {  	s0 =	stileid.u32;
	[bflag:$0x2] =	sbarrier.arrive $0xFFFF  }
0xad: {  	p0 =	sne.s32 s0, $0x0;
	s0 =	rddreg [dreg:$0x3]  }
0xae: {  	s0 =	sadd.s32 @!p0 $0x100000, s0  }
0xaf: {  	[sflag:s0] =	ssyncadd.tile.s32 @!p0 $0x1;
	_ =	shalt  }
.Lfunc_end2:
_tile_overlayer_lowered:
.L_overlay_start_2:
0xb0: {  	(tag) =	ssettag $0x2  }
0xb1: {  	s0 =	rddreg [dreg:$0x0];
	s2 =	stileid.u32  }
0xb2: {  	s1 =	rddreg [dreg:$0x1];
	p0 =	sne.s32 s2, $0x0  }
0xb3: {  	s3 =	rddreg [dreg:$0x2];
	[bflag:$0x3] =	sbarrier.arrive $0xFFFF;
	s2 =	simm.s32 @!p0 $0x1C03  }
0xb4: {  	[timem:s3], [sflag:s2] =	dma.local @!p0 [hbm:s0], s1  }
0xb5: {  	s0 =	simm.s32 @!p0 $0x3  }
0xb6: {  	_ =	swait.ge @!p0 [sflag:s0], s1  }
0xb7: {  	s1 =	ssub.s32 @!p0 $0x0, s1;
	[sflag:s0] =	ssyncset.done @!p0 $0x0  }
0xb8: {  	[sflag:s0] =	ssyncadd.s32 @!p0 s1  }
0xb9: {  	[bflag:$0x3] =	sbarrier.arrive $0xFFFF  }
0xba: {  	_ =	shalt  }

</sc_bundles>
